<compile_context>
chip_gen: v7x
topology: tpu7x:2x2x1
jax: 0.10.2.dev20260603
libtpu: 0.0.44.dev20260713+nightly
codegen_flags: <defaults>
</compile_context>

<pallas_src>
import jax
import jax.numpy as jnp
from jax import lax
from jax.experimental import pallas as pl
from jax.experimental.pallas import tpu as pltpu
from jax.experimental.pallas import tpu_sc as plsc

NC = 2
NS = 16
NW = NC * NS
CH = 128
N_IDXU = 8
N_PAIRU = 5


def _sc_mesh():
    return plsc.VectorSubcoreMesh(
        core_axis_name="c", subcore_axis_name="s",
        num_cores=NC, num_subcores=NS)


def _pair_tables(a, b):
    V, D = a.shape
    R = 4096

    def body(at_ref, bt_ref, o_ref):
        eye = jnp.eye(D, dtype=jnp.float32)
        dn = (((0,), (0,)), ((), ()))
        ta = jax.lax.dot_general(at_ref[...], eye, dn,
                                 preferred_element_type=jnp.float32)
        tb = jax.lax.dot_general(bt_ref[...], eye, dn,
                                 preferred_element_type=jnp.float32)
        o_ref[...] = jnp.concatenate([ta, tb], axis=1)

    return pl.pallas_call(
        body,
        grid=((V + R - 1) // R,),
        in_specs=[
            pl.BlockSpec((D, R), lambda i: (0, i)),
            pl.BlockSpec((D, R), lambda i: (0, i)),
        ],
        out_specs=pl.BlockSpec((R, 2 * D), lambda i: (i, 0)),
        out_shape=jax.ShapeDtypeStruct((V, 2 * D), jnp.float32),
        compiler_params=pltpu.CompilerParams(
            dimension_semantics=("arbitrary",),
            fuse_transposed_lhs_in_matmul=True),
    )(a.T, b.T)


def _sc_gather_user(idx2d, user_tab, nch, B):
    rows_per_idx = B // CH

    def body(idx_hbm, ut_hbm, out_hbm, idx_v, buf_v, sem):
        wid = lax.axis_index("s") * NC + lax.axis_index("c")
        for r in range(N_IDXU):
            pltpu.sync_copy(
                idx_hbm.at[pl.ds(r * rows_per_idx + wid * nch, nch)],
                idx_v.at[r])

        jobs = [
            (0, [(0, 0, 128)]),
            (1, [(1, 0, 64)]),
            (2, [(1, 64, 64)]),
            (3, [(2, 0, 64)]),
            (4, [(2, 64, 64)]),
            (5, [(3, 0, 64)]),
            (6, [(3, 64, 64)]),
            (7, [(4, 0, 64), (4, 64, 64)]),
        ]

        def do_chunk(ci, carry):
            for wave in (jobs[:4], jobs[4:]):
                cps = [
                    pltpu.async_copy(
                        ut_hbm.at[idx_v.at[r, ci]],
                        buf_v.at[bi], sem)
                    for bi, (r, _) in enumerate(wave)
                ]
                for cp in cps:
                    cp.wait()
                for bi, (_, writes) in enumerate(wave):
                    for (p, off, w) in writes:
                        src = buf_v.at[bi] if w == 128 else \
                            buf_v.at[bi, :, pl.ds(0, 64)]
                        pltpu.sync_copy(
                            src, out_hbm.at[p, wid, ci, :, pl.ds(off, w)])
            return carry

        lax.fori_loop(0, nch, do_chunk, 0)

    fn = pl.kernel(
        body,
        out_type=jax.ShapeDtypeStruct((N_PAIRU, NW, nch, CH, 128),
                                      jnp.float32),
        mesh=_sc_mesh(),
        scratch_types=[
            pltpu.VMEM((N_IDXU, nch, CH), jnp.int32),
            pltpu.VMEM((4, CH, 128), jnp.float32),
            pltpu.SemaphoreType.DMA,
        ],
        compiler_params=pltpu.CompilerParams(use_tc_tiling_on_sc=False),
    )
    return fn(idx2d, user_tab)


def _sc_gather_item(item2d, item_tab, nch, B):

    def body(idx_hbm, it_hbm, out_hbm, idx_v, buf_v, sem):
        wid = lax.axis_index("s") * NC + lax.axis_index("c")
        pltpu.sync_copy(idx_hbm.at[pl.ds(wid * nch, nch)], idx_v)

        def do_chunk(ci, carry):
            pltpu.async_copy(
                it_hbm.at[idx_v.at[ci]],
                buf_v, sem).wait()
            pltpu.sync_copy(buf_v, out_hbm.at[wid, ci])
            return carry

        lax.fori_loop(0, nch, do_chunk, 0)

    fn = pl.kernel(
        body,
        out_type=jax.ShapeDtypeStruct((NW, nch, CH, 128), jnp.float32),
        mesh=_sc_mesh(),
        scratch_types=[
            pltpu.VMEM((nch, CH), jnp.int32),
            pltpu.VMEM((CH, 128), jnp.float32),
            pltpu.SemaphoreType.DMA,
        ],
        compiler_params=pltpu.CompilerParams(use_tc_tiling_on_sc=False),
    )
    return fn(item2d, item_tab)


def _mlp_body(pu_ref, pi_ref, w1_ref, b1_ref, w2_ref, b2_ref, w3_ref,
              b3_ref, wo_ref, bo_ref, o_ref):
    acc = jnp.dot(pi_ref[...], w1_ref[1], preferred_element_type=jnp.float32)
    for j, s in enumerate((0, 2, 3, 4, 5)):
        acc = acc + jnp.dot(pu_ref[j], w1_ref[s],
                            preferred_element_type=jnp.float32)
    h1 = jnp.maximum(acc + b1_ref[...], 0.0)
    h2 = jnp.maximum(
        jnp.dot(h1, w2_ref[...], preferred_element_type=jnp.float32)
        + b2_ref[...], 0.0)
    h3 = jnp.maximum(
        jnp.dot(h2, w3_ref[...], preferred_element_type=jnp.float32)
        + b3_ref[...], 0.0)
    gmf = (pu_ref[0][:, 64:].astype(jnp.float32)
           * pi_ref[...][:, 64:].astype(jnp.float32))
    wo = wo_ref[...]
    out = (jnp.sum(gmf * wo[:, :64], axis=1)
           + jnp.sum(h3 * wo[:, 64:], axis=1))
    o_ref[...] = out + bo_ref[0]


def _mlp(pairs_u, pair_i, w1p, b1, w2, b2, w3, b3, wo, bo, blk):
    B = pair_i.shape[0]
    return pl.pallas_call(
        _mlp_body,
        grid=(B // blk,),
        in_specs=[
            pl.BlockSpec((N_PAIRU, blk, 128), lambda i: (0, i, 0)),
            pl.BlockSpec((blk, 128), lambda i: (i, 0)),
            pl.BlockSpec((6, 128, 256), lambda i: (0, 0, 0)),
            pl.BlockSpec((1, 256), lambda i: (0, 0)),
            pl.BlockSpec((256, 128), lambda i: (0, 0)),
            pl.BlockSpec((1, 128), lambda i: (0, 0)),
            pl.BlockSpec((128, 64), lambda i: (0, 0)),
            pl.BlockSpec((1, 64), lambda i: (0, 0)),
            pl.BlockSpec((1, 128), lambda i: (0, 0)),
            pl.BlockSpec(memory_space=pltpu.SMEM),
        ],
        out_specs=pl.BlockSpec((blk,), lambda i: (i,)),
        out_shape=jax.ShapeDtypeStruct((B,), jnp.float32),
        compiler_params=pltpu.CompilerParams(
            dimension_semantics=("arbitrary",)),
    )(pairs_u, pair_i, w1p, b1, w2, b2, w3, b3, wo, bo)


def kernel(user_id, item_id, context_id, mlp_user, mlp_item, gmf_user,
           gmf_item, W1, b1, W2, b2, W3, b3, Wout, bout):
    B = user_id.shape[0]
    user_id = user_id.astype(jnp.int32)
    item_id = item_id.astype(jnp.int32)
    ctx_t = context_id.astype(jnp.int32).T

    user_tab = _pair_tables(mlp_user, gmf_user)
    idx2d = jnp.concatenate(
        [user_id, ctx_t.reshape(-1)]).reshape(-1, CH)
    nch = B // NW // CH

    pairs_u5 = _sc_gather_user(idx2d, user_tab, nch, B)
    pairs_u = pairs_u5.reshape(N_PAIRU, B, 128)

    item_tab = _pair_tables(mlp_item, gmf_item)
    pair_i4 = _sc_gather_item(item_id.reshape(-1, CH), item_tab, nch, B)
    pair_i = pair_i4.reshape(B, 128)

    blocks = W1.reshape(9, 64, 256)
    z = jnp.zeros((64, 256), W1.dtype)
    w1p = jnp.stack([
        jnp.concatenate([blocks[0], z]),
        jnp.concatenate([blocks[1], z]),
        jnp.concatenate([blocks[2], blocks[3]]),
        jnp.concatenate([blocks[4], blocks[5]]),
        jnp.concatenate([blocks[6], blocks[7]]),
        jnp.concatenate([blocks[8], z]),
    ])
    return _mlp(pairs_u, pair_i, w1p, b1.reshape(1, 256), W2,
                b2.reshape(1, 128), W3, b3.reshape(1, 64),
                Wout.reshape(1, 128), bout, blk=1024)

# --- scband reference (transcript-rebuilt; emitter-appended) ---
"""Pipeline reference for scband-neu-mf-contexts-37623913513188 (READ-ONLY COPY).

The authoritative reference and input builder live on the scoring server;
editing this copy changes nothing except your own understanding.
"""

import jax, jax.numpy as jnp
import numpy as np

N_USERS = 100000
N_ITEMS = 100000
MLP_FACTORS = 64
GMF_FACTORS = 64
LAYERS = [256, 128, 64]
BATCH = 16384


def setup_inputs(seed: int = 0) -> dict:
    key = jax.random.key(seed)
    ks = jax.random.split(key, 20)
    user_id = jax.random.randint(ks[0], (BATCH,), 0, N_USERS, dtype=jnp.int64 if jax.config.jax_enable_x64 else jnp.int32)
    item_id = jax.random.randint(ks[1], (BATCH,), 0, N_ITEMS, dtype=jnp.int64 if jax.config.jax_enable_x64 else jnp.int32)
    context_id = jax.random.randint(ks[2], (BATCH, 7), 0, N_USERS, dtype=jnp.int64 if jax.config.jax_enable_x64 else jnp.int32)
    mlp_user = jax.random.normal(ks[3], (N_USERS, MLP_FACTORS), dtype=jnp.float32) * 0.05
    mlp_item = jax.random.normal(ks[4], (N_ITEMS, MLP_FACTORS), dtype=jnp.float32) * 0.05
    gmf_user = jax.random.normal(ks[5], (N_USERS, GMF_FACTORS), dtype=jnp.float32) * 0.05
    gmf_item = jax.random.normal(ks[6], (N_ITEMS, GMF_FACTORS), dtype=jnp.float32) * 0.05
    d_in = 9 * MLP_FACTORS
    W1 = jax.random.normal(ks[7], (d_in, LAYERS[0]), dtype=jnp.float32) * (1.0 / np.sqrt(d_in))
    b1 = jnp.zeros((LAYERS[0],), dtype=jnp.float32)
    W2 = jax.random.normal(ks[8], (LAYERS[0], LAYERS[1]), dtype=jnp.float32) * (1.0 / np.sqrt(LAYERS[0]))
    b2 = jnp.zeros((LAYERS[1],), dtype=jnp.float32)
    W3 = jax.random.normal(ks[9], (LAYERS[1], LAYERS[2]), dtype=jnp.float32) * (1.0 / np.sqrt(LAYERS[1]))
    b3 = jnp.zeros((LAYERS[2],), dtype=jnp.float32)
    d_out_in = LAYERS[2] + GMF_FACTORS
    Wout = jax.random.normal(ks[10], (d_out_in, 1), dtype=jnp.float32) * (1.0 / np.sqrt(d_out_in))
    bout = jnp.zeros((1,), dtype=jnp.float32)
    return {
        'user_id': user_id, 'item_id': item_id, 'context_id': context_id,
        'mlp_user': mlp_user, 'mlp_item': mlp_item,
        'gmf_user': gmf_user, 'gmf_item': gmf_item,
        'W1': W1, 'b1': b1, 'W2': W2, 'b2': b2, 'W3': W3, 'b3': b3,
        'Wout': Wout, 'bout': bout,
    }


def reference(user_id, item_id, context_id, mlp_user, mlp_item, gmf_user, gmf_item,
              W1, b1, W2, b2, W3, b3, Wout, bout):
    # GMF branch
    gmf_u = jnp.take(gmf_user, user_id, axis=0)
    gmf_i = jnp.take(gmf_item, item_id, axis=0)
    gmf_merge = gmf_u * gmf_i
    # MLP branch (note: original torch code looks up context ids in the USER
    # mlp table -- we faithfully reproduce that behavior)
    mlp_u = jnp.take(mlp_user, user_id, axis=0)
    mlp_i = jnp.take(mlp_item, item_id, axis=0)
    mlp_c = jnp.take(mlp_user, context_id, axis=0)  # [B, 7, mlp_factors]
    mlp_c = jnp.reshape(mlp_c, (user_id.shape[0], -1))
    merge = jnp.concatenate([mlp_u, mlp_i, mlp_c], axis=1)  # [B, 9*mlp_factors]
    h1 = jax.nn.relu(merge @ W1 + b1)
    h2 = jax.nn.relu(h1 @ W2 + b2)
    h3 = jax.nn.relu(h2 @ W3 + b3)
    out = jnp.concatenate([gmf_merge, h3], axis=1) @ Wout + bout
    return jnp.squeeze(out, axis=1)

if __name__ == "__main__":
    import jax
    _d = setup_inputs()
    print(jax.jit(kernel)(*tuple(_d.values())))

</pallas_src>

<mosaic_0001>
#map = affine_map<(d0, d1) -> (0, 0)>
#map1 = affine_map<(d0, d1) -> (0, 0, 0, 0, 0)>
module attributes {stable_mosaic.version = 14 : i64} {
  func.func @body(%arg0: i32, %arg1: i32, %arg2: memref<1024x128xi32, #tpu.memory_space<hbm>>, %arg3: memref<100000x128xf32, #tpu.memory_space<hbm>>, %arg4: memref<5x32x4x128x128xf32, #tpu.memory_space<hbm>>, %arg5: memref<8x4x128xi32, #tpu.memory_space<vmem>>, %arg6: memref<4x128x128xf32, #tpu.memory_space<vmem>>, %arg7: memref<!tpu.dma_semaphore, #tpu.memory_space<semaphore_mem>>) attributes {dimension_semantics = [#tpu.dimension_semantics<core_parallel>, #tpu.dimension_semantics<subcore_parallel>], iteration_bounds = array<i64: 2, 16>, scalar_prefetch = 0 : i64, scratch_operands = 3 : i64, tpu.core_type = #tpu.core_type<sc_vector_subcore>, window_params = [{transform_indices = #map}, {transform_indices = #map}, {transform_indices = #map1}]} {
    %mul3A = arith.constant 2 : i32
    %mul3A_0 = arith.muli %arg1, %mul3A : i32
    %add3A = arith.addi %mul3A_0, %arg0 : i32
    %mul3A_1 = arith.constant 4 : i32
    %mul3A_2 = arith.muli %add3A, %mul3A_1 : i32
    %add3A_3 = arith.constant 0 : i32
    %add3A_4 = arith.addi %add3A_3, %mul3A_2 : i32
    %run_scoped3A = arith.constant 0 : i32
    "tpu.region"() ({
      %run_scoped3A_45 = tpu.sem_alloc : memref<!tpu.dma_semaphore, #tpu.memory_space<semaphore_mem>>
      %dma_start3A = arith.constant 0 : i32
      %dma_start3A_46 = arith.constant 0 : i32
      %dma_start3A_47 = tpu.memref_slice %arg5[%run_scoped3A, %dma_start3A, %dma_start3A_46] : memref<8x4x128xi32, #tpu.memory_space<vmem>> -> memref<1x4x128xi32, #tpu.memory_space<vmem>>
      %dma_start3A_48 = tpu.memref_squeeze %dma_start3A_47 : memref<1x4x128xi32, #tpu.memory_space<vmem>> -> memref<4x128xi32, #tpu.memory_space<vmem>>
      %dma_start3A_49 = arith.constant 0 : i32
      %dma_start3A_50 = tpu.memref_slice %arg2[%add3A_4, %dma_start3A_49] : memref<1024x128xi32, #tpu.memory_space<hbm>> -> memref<4x128xi32, #tpu.memory_space<hbm>>
      %dma_start3A_51 = arith.constant 0 : i32
      %dma_start3A_52 = arith.constant 0 : i32
      %dma_start3A_53 = tpu.memref_slice %arg5[%run_scoped3A, %dma_start3A_51, %dma_start3A_52] : memref<8x4x128xi32, #tpu.memory_space<vmem>> -> memref<1x4x128xi32, #tpu.memory_space<vmem>>
      %dma_start3A_54 = tpu.memref_squeeze %dma_start3A_53 : memref<1x4x128xi32, #tpu.memory_space<vmem>> -> memref<4x128xi32, #tpu.memory_space<vmem>>
      %dma_start3A_55 = arith.constant 0 : i32
      %dma_start3A_56 = tpu.memref_slice %arg2[%add3A_4, %dma_start3A_55] : memref<1024x128xi32, #tpu.memory_space<hbm>> -> memref<4x128xi32, #tpu.memory_space<hbm>>
      tpu.enqueue_dma source(%dma_start3A_56 : memref<4x128xi32, #tpu.memory_space<hbm>>) target(%dma_start3A_54 : memref<4x128xi32, #tpu.memory_space<vmem>>) target_semaphore(%run_scoped3A_45 : memref<!tpu.dma_semaphore, #tpu.memory_space<semaphore_mem>>)
      %dma_wait3A = arith.constant 0 : i32
      %dma_wait3A_57 = arith.constant 0 : i32
      %dma_wait3A_58 = tpu.memref_slice %arg5[%run_scoped3A, %dma_wait3A, %dma_wait3A_57] : memref<8x4x128xi32, #tpu.memory_space<vmem>> -> memref<1x4x128xi32, #tpu.memory_space<vmem>>
      %dma_wait3A_59 = tpu.memref_squeeze %dma_wait3A_58 : memref<1x4x128xi32, #tpu.memory_space<vmem>> -> memref<4x128xi32, #tpu.memory_space<vmem>>
      %dma_wait3A_60 = arith.constant 0 : i32
      %dma_wait3A_61 = tpu.memref_slice %arg2[%add3A_4, %dma_wait3A_60] : memref<1024x128xi32, #tpu.memory_space<hbm>> -> memref<4x128xi32, #tpu.memory_space<hbm>>
      %dma_wait3A_62 = arith.constant 0 : i32
      %dma_wait3A_63 = arith.constant 0 : i32
      %dma_wait3A_64 = tpu.memref_slice %arg5[%run_scoped3A, %dma_wait3A_62, %dma_wait3A_63] : memref<8x4x128xi32, #tpu.memory_space<vmem>> -> memref<1x4x128xi32, #tpu.memory_space<vmem>>
      %dma_wait3A_65 = tpu.memref_squeeze %dma_wait3A_64 : memref<1x4x128xi32, #tpu.memory_space<vmem>> -> memref<4x128xi32, #tpu.memory_space<vmem>>
      %dma_wait3A_66 = arith.constant 0 : i32
      %dma_wait3A_67 = tpu.memref_slice %arg2[%add3A_4, %dma_wait3A_66] : memref<1024x128xi32, #tpu.memory_space<hbm>> -> memref<4x128xi32, #tpu.memory_space<hbm>>
      tpu.wait_dma2 semaphore(%run_scoped3A_45 : memref<!tpu.dma_semaphore, #tpu.memory_space<semaphore_mem>>) src(%dma_wait3A_67 : memref<4x128xi32, #tpu.memory_space<hbm>>) dst(%dma_wait3A_65 : memref<4x128xi32, #tpu.memory_space<vmem>>)
      tpu.yield
    }) : () -> ()
    %mul3A_5 = arith.constant 4 : i32
    %mul3A_6 = arith.muli %add3A, %mul3A_5 : i32
    %add3A_7 = arith.constant 128 : i32
    %add3A_8 = arith.addi %add3A_7, %mul3A_6 : i32
    %run_scoped3A_9 = arith.constant 1 : i32
    "tpu.region"() ({
      %run_scoped3A_45 = tpu.sem_alloc : memref<!tpu.dma_semaphore, #tpu.memory_space<semaphore_mem>>
      %dma_start3A = arith.constant 0 : i32
      %dma_start3A_46 = arith.constant 0 : i32
      %dma_start3A_47 = tpu.memref_slice %arg5[%run_scoped3A_9, %dma_start3A, %dma_start3A_46] : memref<8x4x128xi32, #tpu.memory_space<vmem>> -> memref<1x4x128xi32, #tpu.memory_space<vmem>>
      %dma_start3A_48 = tpu.memref_squeeze %dma_start3A_47 : memref<1x4x128xi32, #tpu.memory_space<vmem>> -> memref<4x128xi32, #tpu.memory_space<vmem>>
      %dma_start3A_49 = arith.constant 0 : i32
      %dma_start3A_50 = tpu.memref_slice %arg2[%add3A_8, %dma_start3A_49] : memref<1024x128xi32, #tpu.memory_space<hbm>> -> memref<4x128xi32, #tpu.memory_space<hbm>>
      %dma_start3A_51 = arith.constant 0 : i32
      %dma_start3A_52 = arith.constant 0 : i32
      %dma_start3A_53 = tpu.memref_slice %arg5[%run_scoped3A_9, %dma_start3A_51, %dma_start3A_52] : memref<8x4x128xi32, #tpu.memory_space<vmem>> -> memref<1x4x128xi32, #tpu.memory_space<vmem>>
      %dma_start3A_54 = tpu.memref_squeeze %dma_start3A_53 : memref<1x4x128xi32, #tpu.memory_space<vmem>> -> memref<4x128xi32, #tpu.memory_space<vmem>>
      %dma_start3A_55 = arith.constant 0 : i32
      %dma_start3A_56 = tpu.memref_slice %arg2[%add3A_8, %dma_start3A_55] : memref<1024x128xi32, #tpu.memory_space<hbm>> -> memref<4x128xi32, #tpu.memory_space<hbm>>
      tpu.enqueue_dma source(%dma_start3A_56 : memref<4x128xi32, #tpu.memory_space<hbm>>) target(%dma_start3A_54 : memref<4x128xi32, #tpu.memory_space<vmem>>) target_semaphore(%run_scoped3A_45 : memref<!tpu.dma_semaphore, #tpu.memory_space<semaphore_mem>>)
      %dma_wait3A = arith.constant 0 : i32
      %dma_wait3A_57 = arith.constant 0 : i32
      %dma_wait3A_58 = tpu.memref_slice %arg5[%run_scoped3A_9, %dma_wait3A, %dma_wait3A_57] : memref<8x4x128xi32, #tpu.memory_space<vmem>> -> memref<1x4x128xi32, #tpu.memory_space<vmem>>
      %dma_wait3A_59 = tpu.memref_squeeze %dma_wait3A_58 : memref<1x4x128xi32, #tpu.memory_space<vmem>> -> memref<4x128xi32, #tpu.memory_space<vmem>>
      %dma_wait3A_60 = arith.constant 0 : i32
      %dma_wait3A_61 = tpu.memref_slice %arg2[%add3A_8, %dma_wait3A_60] : memref<1024x128xi32, #tpu.memory_space<hbm>> -> memref<4x128xi32, #tpu.memory_space<hbm>>
      %dma_wait3A_62 = arith.constant 0 : i32
      %dma_wait3A_63 = arith.constant 0 : i32
      %dma_wait3A_64 = tpu.memref_slice %arg5[%run_scoped3A_9, %dma_wait3A_62, %dma_wait3A_63] : memref<8x4x128xi32, #tpu.memory_space<vmem>> -> memref<1x4x128xi32, #tpu.memory_space<vmem>>
      %dma_wait3A_65 = tpu.memref_squeeze %dma_wait3A_64 : memref<1x4x128xi32, #tpu.memory_space<vmem>> -> memref<4x128xi32, #tpu.memory_space<vmem>>
      %dma_wait3A_66 = arith.constant 0 : i32
      %dma_wait3A_67 = tpu.memref_slice %arg2[%add3A_8, %dma_wait3A_66] : memref<1024x128xi32, #tpu.memory_space<hbm>> -> memref<4x128xi32, #tpu.memory_space<hbm>>
      tpu.wait_dma2 semaphore(%run_scoped3A_45 : memref<!tpu.dma_semaphore, #tpu.memory_space<semaphore_mem>>) src(%dma_wait3A_67 : memref<4x128xi32, #tpu.memory_space<hbm>>) dst(%dma_wait3A_65 : memref<4x128xi32, #tpu.memory_space<vmem>>)
      tpu.yield
    }) : () -> ()
    %mul3A_10 = arith.constant 4 : i32
    %mul3A_11 = arith.muli %add3A, %mul3A_10 : i32
    %add3A_12 = arith.constant 256 : i32
    %add3A_13 = arith.addi %add3A_12, %mul3A_11 : i32
    %run_scoped3A_14 = arith.constant 2 : i32
    "tpu.region"() ({
      %run_scoped3A_45 = tpu.sem_alloc : memref<!tpu.dma_semaphore, #tpu.memory_space<semaphore_mem>>
      %dma_start3A = arith.constant 0 : i32
      %dma_start3A_46 = arith.constant 0 : i32
      %dma_start3A_47 = tpu.memref_slice %arg5[%run_scoped3A_14, %dma_start3A, %dma_start3A_46] : memref<8x4x128xi32, #tpu.memory_space<vmem>> -> memref<1x4x128xi32, #tpu.memory_space<vmem>>
      %dma_start3A_48 = tpu.memref_squeeze %dma_start3A_47 : memref<1x4x128xi32, #tpu.memory_space<vmem>> -> memref<4x128xi32, #tpu.memory_space<vmem>>
      %dma_start3A_49 = arith.constant 0 : i32
      %dma_start3A_50 = tpu.memref_slice %arg2[%add3A_13, %dma_start3A_49] : memref<1024x128xi32, #tpu.memory_space<hbm>> -> memref<4x128xi32, #tpu.memory_space<hbm>>
      %dma_start3A_51 = arith.constant 0 : i32
      %dma_start3A_52 = arith.constant 0 : i32
      %dma_start3A_53 = tpu.memref_slice %arg5[%run_scoped3A_14, %dma_start3A_51, %dma_start3A_52] : memref<8x4x128xi32, #tpu.memory_space<vmem>> -> memref<1x4x128xi32, #tpu.memory_space<vmem>>
      %dma_start3A_54 = tpu.memref_squeeze %dma_start3A_53 : memref<1x4x128xi32, #tpu.memory_space<vmem>> -> memref<4x128xi32, #tpu.memory_space<vmem>>
      %dma_start3A_55 = arith.constant 0 : i32
      %dma_start3A_56 = tpu.memref_slice %arg2[%add3A_13, %dma_start3A_55] : memref<1024x128xi32, #tpu.memory_space<hbm>> -> memref<4x128xi32, #tpu.memory_space<hbm>>
      tpu.enqueue_dma source(%dma_start3A_56 : memref<4x128xi32, #tpu.memory_space<hbm>>) target(%dma_start3A_54 : memref<4x128xi32, #tpu.memory_space<vmem>>) target_semaphore(%run_scoped3A_45 : memref<!tpu.dma_semaphore, #tpu.memory_space<semaphore_mem>>)
      %dma_wait3A = arith.constant 0 : i32
      %dma_wait3A_57 = arith.constant 0 : i32
      %dma_wait3A_58 = tpu.memref_slice %arg5[%run_scoped3A_14, %dma_wait3A, %dma_wait3A_57] : memref<8x4x128xi32, #tpu.memory_space<vmem>> -> memref<1x4x128xi32, #tpu.memory_space<vmem>>
      %dma_wait3A_59 = tpu.memref_squeeze %dma_wait3A_58 : memref<1x4x128xi32, #tpu.memory_space<vmem>> -> memref<4x128xi32, #tpu.memory_space<vmem>>
      %dma_wait3A_60 = arith.constant 0 : i32
      %dma_wait3A_61 = tpu.memref_slice %arg2[%add3A_13, %dma_wait3A_60] : memref<1024x128xi32, #tpu.memory_space<hbm>> -> memref<4x128xi32, #tpu.memory_space<hbm>>
      %dma_wait3A_62 = arith.constant 0 : i32
      %dma_wait3A_63 = arith.constant 0 : i32
      %dma_wait3A_64 = tpu.memref_slice %arg5[%run_scoped3A_14, %dma_wait3A_62, %dma_wait3A_63] : memref<8x4x128xi32, #tpu.memory_space<vmem>> -> memref<1x4x128xi32, #tpu.memory_space<vmem>>
      %dma_wait3A_65 = tpu.memref_squeeze %dma_wait3A_64 : memref<1x4x128xi32, #tpu.memory_space<vmem>> -> memref<4x128xi32, #tpu.memory_space<vmem>>
      %dma_wait3A_66 = arith.constant 0 : i32
      %dma_wait3A_67 = tpu.memref_slice %arg2[%add3A_13, %dma_wait3A_66] : memref<1024x128xi32, #tpu.memory_space<hbm>> -> memref<4x128xi32, #tpu.memory_space<hbm>>
      tpu.wait_dma2 semaphore(%run_scoped3A_45 : memref<!tpu.dma_semaphore, #tpu.memory_space<semaphore_mem>>) src(%dma_wait3A_67 : memref<4x128xi32, #tpu.memory_space<hbm>>) dst(%dma_wait3A_65 : memref<4x128xi32, #tpu.memory_space<vmem>>)
      tpu.yield
    }) : () -> ()
    %mul3A_15 = arith.constant 4 : i32
    %mul3A_16 = arith.muli %add3A, %mul3A_15 : i32
    %add3A_17 = arith.constant 384 : i32
    %add3A_18 = arith.addi %add3A_17, %mul3A_16 : i32
    %run_scoped3A_19 = arith.constant 3 : i32
    "tpu.region"() ({
      %run_scoped3A_45 = tpu.sem_alloc : memref<!tpu.dma_semaphore, #tpu.memory_space<semaphore_mem>>
      %dma_start3A = arith.constant 0 : i32
      %dma_start3A_46 = arith.constant 0 : i32
      %dma_start3A_47 = tpu.memref_slice %arg5[%run_scoped3A_19, %dma_start3A, %dma_start3A_46] : memref<8x4x128xi32, #tpu.memory_space<vmem>> -> memref<1x4x128xi32, #tpu.memory_space<vmem>>
      %dma_start3A_48 = tpu.memref_squeeze %dma_start3A_47 : memref<1x4x128xi32, #tpu.memory_space<vmem>> -> memref<4x128xi32, #tpu.memory_space<vmem>>
      %dma_start3A_49 = arith.constant 0 : i32
      %dma_start3A_50 = tpu.memref_slice %arg2[%add3A_18, %dma_start3A_49] : memref<1024x128xi32, #tpu.memory_space<hbm>> -> memref<4x128xi32, #tpu.memory_space<hbm>>
      %dma_start3A_51 = arith.constant 0 : i32
      %dma_start3A_52 = arith.constant 0 : i32
      %dma_start3A_53 = tpu.memref_slice %arg5[%run_scoped3A_19, %dma_start3A_51, %dma_start3A_52] : memref<8x4x128xi32, #tpu.memory_space<vmem>> -> memref<1x4x128xi32, #tpu.memory_space<vmem>>
      %dma_start3A_54 = tpu.memref_squeeze %dma_start3A_53 : memref<1x4x128xi32, #tpu.memory_space<vmem>> -> memref<4x128xi32, #tpu.memory_space<vmem>>
      %dma_start3A_55 = arith.constant 0 : i32
      %dma_start3A_56 = tpu.memref_slice %arg2[%add3A_18, %dma_start3A_55] : memref<1024x128xi32, #tpu.memory_space<hbm>> -> memref<4x128xi32, #tpu.memory_space<hbm>>
      tpu.enqueue_dma source(%dma_start3A_56 : memref<4x128xi32, #tpu.memory_space<hbm>>) target(%dma_start3A_54 : memref<4x128xi32, #tpu.memory_space<vmem>>) target_semaphore(%run_scoped3A_45 : memref<!tpu.dma_semaphore, #tpu.memory_space<semaphore_mem>>)
      %dma_wait3A = arith.constant 0 : i32
      %dma_wait3A_57 = arith.constant 0 : i32
      %dma_wait3A_58 = tpu.memref_slice %arg5[%run_scoped3A_19, %dma_wait3A, %dma_wait3A_57] : memref<8x4x128xi32, #tpu.memory_space<vmem>> -> memref<1x4x128xi32, #tpu.memory_space<vmem>>
      %dma_wait3A_59 = tpu.memref_squeeze %dma_wait3A_58 : memref<1x4x128xi32, #tpu.memory_space<vmem>> -> memref<4x128xi32, #tpu.memory_space<vmem>>
      %dma_wait3A_60 = arith.constant 0 : i32
      %dma_wait3A_61 = tpu.memref_slice %arg2[%add3A_18, %dma_wait3A_60] : memref<1024x128xi32, #tpu.memory_space<hbm>> -> memref<4x128xi32, #tpu.memory_space<hbm>>
      %dma_wait3A_62 = arith.constant 0 : i32
      %dma_wait3A_63 = arith.constant 0 : i32
      %dma_wait3A_64 = tpu.memref_slice %arg5[%run_scoped3A_19, %dma_wait3A_62, %dma_wait3A_63] : memref<8x4x128xi32, #tpu.memory_space<vmem>> -> memref<1x4x128xi32, #tpu.memory_space<vmem>>
      %dma_wait3A_65 = tpu.memref_squeeze %dma_wait3A_64 : memref<1x4x128xi32, #tpu.memory_space<vmem>> -> memref<4x128xi32, #tpu.memory_space<vmem>>
      %dma_wait3A_66 = arith.constant 0 : i32
      %dma_wait3A_67 = tpu.memref_slice %arg2[%add3A_18, %dma_wait3A_66] : memref<1024x128xi32, #tpu.memory_space<hbm>> -> memref<4x128xi32, #tpu.memory_space<hbm>>
      tpu.wait_dma2 semaphore(%run_scoped3A_45 : memref<!tpu.dma_semaphore, #tpu.memory_space<semaphore_mem>>) src(%dma_wait3A_67 : memref<4x128xi32, #tpu.memory_space<hbm>>) dst(%dma_wait3A_65 : memref<4x128xi32, #tpu.memory_space<vmem>>)
      tpu.yield
    }) : () -> ()
    %mul3A_20 = arith.constant 4 : i32
    %mul3A_21 = arith.muli %add3A, %mul3A_20 : i32
    %add3A_22 = arith.constant 512 : i32
    %add3A_23 = arith.addi %add3A_22, %mul3A_21 : i32
    %run_scoped3A_24 = arith.constant 4 : i32
    "tpu.region"() ({
      %run_scoped3A_45 = tpu.sem_alloc : memref<!tpu.dma_semaphore, #tpu.memory_space<semaphore_mem>>
      %dma_start3A = arith.constant 0 : i32
      %dma_start3A_46 = arith.constant 0 : i32
      %dma_start3A_47 = tpu.memref_slice %arg5[%run_scoped3A_24, %dma_start3A, %dma_start3A_46] : memref<8x4x128xi32, #tpu.memory_space<vmem>> -> memref<1x4x128xi32, #tpu.memory_space<vmem>>
      %dma_start3A_48 = tpu.memref_squeeze %dma_start3A_47 : memref<1x4x128xi32, #tpu.memory_space<vmem>> -> memref<4x128xi32, #tpu.memory_space<vmem>>
      %dma_start3A_49 = arith.constant 0 : i32
      %dma_start3A_50 = tpu.memref_slice %arg2[%add3A_23, %dma_start3A_49] : memref<1024x128xi32, #tpu.memory_space<hbm>> -> memref<4x128xi32, #tpu.memory_space<hbm>>
      %dma_start3A_51 = arith.constant 0 : i32
      %dma_start3A_52 = arith.constant 0 : i32
      %dma_start3A_53 = tpu.memref_slice %arg5[%run_scoped3A_24, %dma_start3A_51, %dma_start3A_52] : memref<8x4x128xi32, #tpu.memory_space<vmem>> -> memref<1x4x128xi32, #tpu.memory_space<vmem>>
      %dma_start3A_54 = tpu.memref_squeeze %dma_start3A_53 : memref<1x4x128xi32, #tpu.memory_space<vmem>> -> memref<4x128xi32, #tpu.memory_space<vmem>>
      %dma_start3A_55 = arith.constant 0 : i32
      %dma_start3A_56 = tpu.memref_slice %arg2[%add3A_23, %dma_start3A_55] : memref<1024x128xi32, #tpu.memory_space<hbm>> -> memref<4x128xi32, #tpu.memory_space<hbm>>
      tpu.enqueue_dma source(%dma_start3A_56 : memref<4x128xi32, #tpu.memory_space<hbm>>) target(%dma_start3A_54 : memref<4x128xi32, #tpu.memory_space<vmem>>) target_semaphore(%run_scoped3A_45 : memref<!tpu.dma_semaphore, #tpu.memory_space<semaphore_mem>>)
      %dma_wait3A = arith.constant 0 : i32
      %dma_wait3A_57 = arith.constant 0 : i32
      %dma_wait3A_58 = tpu.memref_slice %arg5[%run_scoped3A_24, %dma_wait3A, %dma_wait3A_57] : memref<8x4x128xi32, #tpu.memory_space<vmem>> -> memref<1x4x128xi32, #tpu.memory_space<vmem>>
      %dma_wait3A_59 = tpu.memref_squeeze %dma_wait3A_58 : memref<1x4x128xi32, #tpu.memory_space<vmem>> -> memref<4x128xi32, #tpu.memory_space<vmem>>
      %dma_wait3A_60 = arith.constant 0 : i32
      %dma_wait3A_61 = tpu.memref_slice %arg2[%add3A_23, %dma_wait3A_60] : memref<1024x128xi32, #tpu.memory_space<hbm>> -> memref<4x128xi32, #tpu.memory_space<hbm>>
      %dma_wait3A_62 = arith.constant 0 : i32
      %dma_wait3A_63 = arith.constant 0 : i32
      %dma_wait3A_64 = tpu.memref_slice %arg5[%run_scoped3A_24, %dma_wait3A_62, %dma_wait3A_63] : memref<8x4x128xi32, #tpu.memory_space<vmem>> -> memref<1x4x128xi32, #tpu.memory_space<vmem>>
      %dma_wait3A_65 = tpu.memref_squeeze %dma_wait3A_64 : memref<1x4x128xi32, #tpu.memory_space<vmem>> -> memref<4x128xi32, #tpu.memory_space<vmem>>
      %dma_wait3A_66 = arith.constant 0 : i32
      %dma_wait3A_67 = tpu.memref_slice %arg2[%add3A_23, %dma_wait3A_66] : memref<1024x128xi32, #tpu.memory_space<hbm>> -> memref<4x128xi32, #tpu.memory_space<hbm>>
      tpu.wait_dma2 semaphore(%run_scoped3A_45 : memref<!tpu.dma_semaphore, #tpu.memory_space<semaphore_mem>>) src(%dma_wait3A_67 : memref<4x128xi32, #tpu.memory_space<hbm>>) dst(%dma_wait3A_65 : memref<4x128xi32, #tpu.memory_space<vmem>>)
      tpu.yield
    }) : () -> ()
    %mul3A_25 = arith.constant 4 : i32
    %mul3A_26 = arith.muli %add3A, %mul3A_25 : i32
    %add3A_27 = arith.constant 640 : i32
    %add3A_28 = arith.addi %add3A_27, %mul3A_26 : i32
    %run_scoped3A_29 = arith.constant 5 : i32
    "tpu.region"() ({
      %run_scoped3A_45 = tpu.sem_alloc : memref<!tpu.dma_semaphore, #tpu.memory_space<semaphore_mem>>
      %dma_start3A = arith.constant 0 : i32
      %dma_start3A_46 = arith.constant 0 : i32
      %dma_start3A_47 = tpu.memref_slice %arg5[%run_scoped3A_29, %dma_start3A, %dma_start3A_46] : memref<8x4x128xi32, #tpu.memory_space<vmem>> -> memref<1x4x128xi32, #tpu.memory_space<vmem>>
      %dma_start3A_48 = tpu.memref_squeeze %dma_start3A_47 : memref<1x4x128xi32, #tpu.memory_space<vmem>> -> memref<4x128xi32, #tpu.memory_space<vmem>>
      %dma_start3A_49 = arith.constant 0 : i32
      %dma_start3A_50 = tpu.memref_slice %arg2[%add3A_28, %dma_start3A_49] : memref<1024x128xi32, #tpu.memory_space<hbm>> -> memref<4x128xi32, #tpu.memory_space<hbm>>
      %dma_start3A_51 = arith.constant 0 : i32
      %dma_start3A_52 = arith.constant 0 : i32
      %dma_start3A_53 = tpu.memref_slice %arg5[%run_scoped3A_29, %dma_start3A_51, %dma_start3A_52] : memref<8x4x128xi32, #tpu.memory_space<vmem>> -> memref<1x4x128xi32, #tpu.memory_space<vmem>>
      %dma_start3A_54 = tpu.memref_squeeze %dma_start3A_53 : memref<1x4x128xi32, #tpu.memory_space<vmem>> -> memref<4x128xi32, #tpu.memory_space<vmem>>
      %dma_start3A_55 = arith.constant 0 : i32
      %dma_start3A_56 = tpu.memref_slice %arg2[%add3A_28, %dma_start3A_55] : memref<1024x128xi32, #tpu.memory_space<hbm>> -> memref<4x128xi32, #tpu.memory_space<hbm>>
      tpu.enqueue_dma source(%dma_start3A_56 : memref<4x128xi32, #tpu.memory_space<hbm>>) target(%dma_start3A_54 : memref<4x128xi32, #tpu.memory_space<vmem>>) target_semaphore(%run_scoped3A_45 : memref<!tpu.dma_semaphore, #tpu.memory_space<semaphore_mem>>)
      %dma_wait3A = arith.constant 0 : i32
      %dma_wait3A_57 = arith.constant 0 : i32
      %dma_wait3A_58 = tpu.memref_slice %arg5[%run_scoped3A_29, %dma_wait3A, %dma_wait3A_57] : memref<8x4x128xi32, #tpu.memory_space<vmem>> -> memref<1x4x128xi32, #tpu.memory_space<vmem>>
      %dma_wait3A_59 = tpu.memref_squeeze %dma_wait3A_58 : memref<1x4x128xi32, #tpu.memory_space<vmem>> -> memref<4x128xi32, #tpu.memory_space<vmem>>
      %dma_wait3A_60 = arith.constant 0 : i32
      %dma_wait3A_61 = tpu.memref_slice %arg2[%add3A_28, %dma_wait3A_60] : memref<1024x128xi32, #tpu.memory_space<hbm>> -> memref<4x128xi32, #tpu.memory_space<hbm>>
      %dma_wait3A_62 = arith.constant 0 : i32
      %dma_wait3A_63 = arith.constant 0 : i32
      %dma_wait3A_64 = tpu.memref_slice %arg5[%run_scoped3A_29, %dma_wait3A_62, %dma_wait3A_63] : memref<8x4x128xi32, #tpu.memory_space<vmem>> -> memref<1x4x128xi32, #tpu.memory_space<vmem>>
      %dma_wait3A_65 = tpu.memref_squeeze %dma_wait3A_64 : memref<1x4x128xi32, #tpu.memory_space<vmem>> -> memref<4x128xi32, #tpu.memory_space<vmem>>
      %dma_wait3A_66 = arith.constant 0 : i32
      %dma_wait3A_67 = tpu.memref_slice %arg2[%add3A_28, %dma_wait3A_66] : memref<1024x128xi32, #tpu.memory_space<hbm>> -> memref<4x128xi32, #tpu.memory_space<hbm>>
      tpu.wait_dma2 semaphore(%run_scoped3A_45 : memref<!tpu.dma_semaphore, #tpu.memory_space<semaphore_mem>>) src(%dma_wait3A_67 : memref<4x128xi32, #tpu.memory_space<hbm>>) dst(%dma_wait3A_65 : memref<4x128xi32, #tpu.memory_space<vmem>>)
      tpu.yield
    }) : () -> ()
    %mul3A_30 = arith.constant 4 : i32
    %mul3A_31 = arith.muli %add3A, %mul3A_30 : i32
    %add3A_32 = arith.constant 768 : i32
    %add3A_33 = arith.addi %add3A_32, %mul3A_31 : i32
    %run_scoped3A_34 = arith.constant 6 : i32
    "tpu.region"() ({
      %run_scoped3A_45 = tpu.sem_alloc : memref<!tpu.dma_semaphore, #tpu.memory_space<semaphore_mem>>
      %dma_start3A = arith.constant 0 : i32
      %dma_start3A_46 = arith.constant 0 : i32
      %dma_start3A_47 = tpu.memref_slice %arg5[%run_scoped3A_34, %dma_start3A, %dma_start3A_46] : memref<8x4x128xi32, #tpu.memory_space<vmem>> -> memref<1x4x128xi32, #tpu.memory_space<vmem>>
      %dma_start3A_48 = tpu.memref_squeeze %dma_start3A_47 : memref<1x4x128xi32, #tpu.memory_space<vmem>> -> memref<4x128xi32, #tpu.memory_space<vmem>>
      %dma_start3A_49 = arith.constant 0 : i32
      %dma_start3A_50 = tpu.memref_slice %arg2[%add3A_33, %dma_start3A_49] : memref<1024x128xi32, #tpu.memory_space<hbm>> -> memref<4x128xi32, #tpu.memory_space<hbm>>
      %dma_start3A_51 = arith.constant 0 : i32
      %dma_start3A_52 = arith.constant 0 : i32
      %dma_start3A_53 = tpu.memref_slice %arg5[%run_scoped3A_34, %dma_start3A_51, %dma_start3A_52] : memref<8x4x128xi32, #tpu.memory_space<vmem>> -> memref<1x4x128xi32, #tpu.memory_space<vmem>>
      %dma_start3A_54 = tpu.memref_squeeze %dma_start3A_53 : memref<1x4x128xi32, #tpu.memory_space<vmem>> -> memref<4x128xi32, #tpu.memory_space<vmem>>
      %dma_start3A_55 = arith.constant 0 : i32
      %dma_start3A_56 = tpu.memref_slice %arg2[%add3A_33, %dma_start3A_55] : memref<1024x128xi32, #tpu.memory_space<hbm>> -> memref<4x128xi32, #tpu.memory_space<hbm>>
      tpu.enqueue_dma source(%dma_start3A_56 : memref<4x128xi32, #tpu.memory_space<hbm>>) target(%dma_start3A_54 : memref<4x128xi32, #tpu.memory_space<vmem>>) target_semaphore(%run_scoped3A_45 : memref<!tpu.dma_semaphore, #tpu.memory_space<semaphore_mem>>)
      %dma_wait3A = arith.constant 0 : i32
      %dma_wait3A_57 = arith.constant 0 : i32
      %dma_wait3A_58 = tpu.memref_slice %arg5[%run_scoped3A_34, %dma_wait3A, %dma_wait3A_57] : memref<8x4x128xi32, #tpu.memory_space<vmem>> -> memref<1x4x128xi32, #tpu.memory_space<vmem>>
      %dma_wait3A_59 = tpu.memref_squeeze %dma_wait3A_58 : memref<1x4x128xi32, #tpu.memory_space<vmem>> -> memref<4x128xi32, #tpu.memory_space<vmem>>
      %dma_wait3A_60 = arith.constant 0 : i32
      %dma_wait3A_61 = tpu.memref_slice %arg2[%add3A_33, %dma_wait3A_60] : memref<1024x128xi32, #tpu.memory_space<hbm>> -> memref<4x128xi32, #tpu.memory_space<hbm>>
      %dma_wait3A_62 = arith.constant 0 : i32
      %dma_wait3A_63 = arith.constant 0 : i32
      %dma_wait3A_64 = tpu.memref_slice %arg5[%run_scoped3A_34, %dma_wait3A_62, %dma_wait3A_63] : memref<8x4x128xi32, #tpu.memory_space<vmem>> -> memref<1x4x128xi32, #tpu.memory_space<vmem>>
      %dma_wait3A_65 = tpu.memref_squeeze %dma_wait3A_64 : memref<1x4x128xi32, #tpu.memory_space<vmem>> -> memref<4x128xi32, #tpu.memory_space<vmem>>
      %dma_wait3A_66 = arith.constant 0 : i32
      %dma_wait3A_67 = tpu.memref_slice %arg2[%add3A_33, %dma_wait3A_66] : memref<1024x128xi32, #tpu.memory_space<hbm>> -> memref<4x128xi32, #tpu.memory_space<hbm>>
      tpu.wait_dma2 semaphore(%run_scoped3A_45 : memref<!tpu.dma_semaphore, #tpu.memory_space<semaphore_mem>>) src(%dma_wait3A_67 : memref<4x128xi32, #tpu.memory_space<hbm>>) dst(%dma_wait3A_65 : memref<4x128xi32, #tpu.memory_space<vmem>>)
      tpu.yield
    }) : () -> ()
    %mul3A_35 = arith.constant 4 : i32
    %mul3A_36 = arith.muli %add3A, %mul3A_35 : i32
    %add3A_37 = arith.constant 896 : i32
    %add3A_38 = arith.addi %add3A_37, %mul3A_36 : i32
    %run_scoped3A_39 = arith.constant 7 : i32
    "tpu.region"() ({
      %run_scoped3A_45 = tpu.sem_alloc : memref<!tpu.dma_semaphore, #tpu.memory_space<semaphore_mem>>
      %dma_start3A = arith.constant 0 : i32
      %dma_start3A_46 = arith.constant 0 : i32
      %dma_start3A_47 = tpu.memref_slice %arg5[%run_scoped3A_39, %dma_start3A, %dma_start3A_46] : memref<8x4x128xi32, #tpu.memory_space<vmem>> -> memref<1x4x128xi32, #tpu.memory_space<vmem>>
      %dma_start3A_48 = tpu.memref_squeeze %dma_start3A_47 : memref<1x4x128xi32, #tpu.memory_space<vmem>> -> memref<4x128xi32, #tpu.memory_space<vmem>>
      %dma_start3A_49 = arith.constant 0 : i32
      %dma_start3A_50 = tpu.memref_slice %arg2[%add3A_38, %dma_start3A_49] : memref<1024x128xi32, #tpu.memory_space<hbm>> -> memref<4x128xi32, #tpu.memory_space<hbm>>
      %dma_start3A_51 = arith.constant 0 : i32
      %dma_start3A_52 = arith.constant 0 : i32
      %dma_start3A_53 = tpu.memref_slice %arg5[%run_scoped3A_39, %dma_start3A_51, %dma_start3A_52] : memref<8x4x128xi32, #tpu.memory_space<vmem>> -> memref<1x4x128xi32, #tpu.memory_space<vmem>>
      %dma_start3A_54 = tpu.memref_squeeze %dma_start3A_53 : memref<1x4x128xi32, #tpu.memory_space<vmem>> -> memref<4x128xi32, #tpu.memory_space<vmem>>
      %dma_start3A_55 = arith.constant 0 : i32
      %dma_start3A_56 = tpu.memref_slice %arg2[%add3A_38, %dma_start3A_55] : memref<1024x128xi32, #tpu.memory_space<hbm>> -> memref<4x128xi32, #tpu.memory_space<hbm>>
      tpu.enqueue_dma source(%dma_start3A_56 : memref<4x128xi32, #tpu.memory_space<hbm>>) target(%dma_start3A_54 : memref<4x128xi32, #tpu.memory_space<vmem>>) target_semaphore(%run_scoped3A_45 : memref<!tpu.dma_semaphore, #tpu.memory_space<semaphore_mem>>)
      %dma_wait3A = arith.constant 0 : i32
      %dma_wait3A_57 = arith.constant 0 : i32
      %dma_wait3A_58 = tpu.memref_slice %arg5[%run_scoped3A_39, %dma_wait3A, %dma_wait3A_57] : memref<8x4x128xi32, #tpu.memory_space<vmem>> -> memref<1x4x128xi32, #tpu.memory_space<vmem>>
      %dma_wait3A_59 = tpu.memref_squeeze %dma_wait3A_58 : memref<1x4x128xi32, #tpu.memory_space<vmem>> -> memref<4x128xi32, #tpu.memory_space<vmem>>
      %dma_wait3A_60 = arith.constant 0 : i32
      %dma_wait3A_61 = tpu.memref_slice %arg2[%add3A_38, %dma_wait3A_60] : memref<1024x128xi32, #tpu.memory_space<hbm>> -> memref<4x128xi32, #tpu.memory_space<hbm>>
      %dma_wait3A_62 = arith.constant 0 : i32
      %dma_wait3A_63 = arith.constant 0 : i32
      %dma_wait3A_64 = tpu.memref_slice %arg5[%run_scoped3A_39, %dma_wait3A_62, %dma_wait3A_63] : memref<8x4x128xi32, #tpu.memory_space<vmem>> -> memref<1x4x128xi32, #tpu.memory_space<vmem>>
      %dma_wait3A_65 = tpu.memref_squeeze %dma_wait3A_64 : memref<1x4x128xi32, #tpu.memory_space<vmem>> -> memref<4x128xi32, #tpu.memory_space<vmem>>
      %dma_wait3A_66 = arith.constant 0 : i32
      %dma_wait3A_67 = tpu.memref_slice %arg2[%add3A_38, %dma_wait3A_66] : memref<1024x128xi32, #tpu.memory_space<hbm>> -> memref<4x128xi32, #tpu.memory_space<hbm>>
      tpu.wait_dma2 semaphore(%run_scoped3A_45 : memref<!tpu.dma_semaphore, #tpu.memory_space<semaphore_mem>>) src(%dma_wait3A_67 : memref<4x128xi32, #tpu.memory_space<hbm>>) dst(%dma_wait3A_65 : memref<4x128xi32, #tpu.memory_space<vmem>>)
      tpu.yield
    }) : () -> ()
    %scan3A = arith.constant 0 : i32
    %scan3A_40 = arith.constant 0 : i32
    %scan3A_41 = arith.constant 4 : i32
    %scan3A_42 = arith.addi %scan3A_40, %scan3A_41 : i32
    %scan3A_43 = arith.constant 1 : i32
    scf.for %scan3A_45 = %scan3A_40 to %scan3A_42 step %scan3A_43  : i32 {
      %dma_start3A = arith.constant 0 : i32
      %dma_start3A_46 = arith.constant 0 : i32
      %dma_start3A_47 = arith.constant 0 : i32
      %dma_start3A_48 = arith.constant 0 : i32
      %dma_start3A_49 = tpu.memref_slice %arg6[%dma_start3A_46, %dma_start3A_47, %dma_start3A_48] : memref<4x128x128xf32, #tpu.memory_space<vmem>> -> memref<1x128x128xf32, #tpu.memory_space<vmem>>
      %dma_start3A_50 = tpu.memref_squeeze %dma_start3A_49 : memref<1x128x128xf32, #tpu.memory_space<vmem>> -> memref<128x128xf32, #tpu.memory_space<vmem>>
      %dma_start3A_51 = arith.constant 0 : i32
      %dma_start3A_52 = tpu.memref_slice %arg5[%dma_start3A, %scan3A_45, %dma_start3A_51] : memref<8x4x128xi32, #tpu.memory_space<vmem>> -> memref<1x1x128xi32, #tpu.memory_space<vmem>>
      %dma_start3A_53 = tpu.memref_squeeze %dma_start3A_52 : memref<1x1x128xi32, #tpu.memory_space<vmem>> -> memref<128xi32, #tpu.memory_space<vmem>>
      %dma_start3A_54 = arith.constant 0 : i32
      %dma_start3A_55 = arith.constant 0 : i32
      %dma_start3A_56 = tpu.memref_slice %arg3[%dma_start3A_54, %dma_start3A_55] : memref<100000x128xf32, #tpu.memory_space<hbm>> -> memref<100000x128xf32, #tpu.memory_space<hbm>>
      tpu.enqueue_indirect_dma source(%dma_start3A_56 : memref<100000x128xf32, #tpu.memory_space<hbm>>) target(%dma_start3A_50 : memref<128x128xf32, #tpu.memory_space<vmem>>) offsets(%dma_start3A_53 : memref<128xi32, #tpu.memory_space<vmem>>) semaphore(%arg7 : memref<!tpu.dma_semaphore, #tpu.memory_space<semaphore_mem>>)
      %dma_start3A_57 = arith.constant 1 : i32
      %dma_start3A_58 = arith.constant 1 : i32
      %dma_start3A_59 = arith.constant 0 : i32
      %dma_start3A_60 = arith.constant 0 : i32
      %dma_start3A_61 = tpu.memref_slice %arg6[%dma_start3A_58, %dma_start3A_59, %dma_start3A_60] : memref<4x128x128xf32, #tpu.memory_space<vmem>> -> memref<1x128x128xf32, #tpu.memory_space<vmem>>
      %dma_start3A_62 = tpu.memref_squeeze %dma_start3A_61 : memref<1x128x128xf32, #tpu.memory_space<vmem>> -> memref<128x128xf32, #tpu.memory_space<vmem>>
      %dma_start3A_63 = arith.constant 0 : i32
      %dma_start3A_64 = tpu.memref_slice %arg5[%dma_start3A_57, %scan3A_45, %dma_start3A_63] : memref<8x4x128xi32, #tpu.memory_space<vmem>> -> memref<1x1x128xi32, #tpu.memory_space<vmem>>
      %dma_start3A_65 = tpu.memref_squeeze %dma_start3A_64 : memref<1x1x128xi32, #tpu.memory_space<vmem>> -> memref<128xi32, #tpu.memory_space<vmem>>
      %dma_start3A_66 = arith.constant 0 : i32
      %dma_start3A_67 = arith.constant 0 : i32
      %dma_start3A_68 = tpu.memref_slice %arg3[%dma_start3A_66, %dma_start3A_67] : memref<100000x128xf32, #tpu.memory_space<hbm>> -> memref<100000x128xf32, #tpu.memory_space<hbm>>
      tpu.enqueue_indirect_dma source(%dma_start3A_68 : memref<100000x128xf32, #tpu.memory_space<hbm>>) target(%dma_start3A_62 : memref<128x128xf32, #tpu.memory_space<vmem>>) offsets(%dma_start3A_65 : memref<128xi32, #tpu.memory_space<vmem>>) semaphore(%arg7 : memref<!tpu.dma_semaphore, #tpu.memory_space<semaphore_mem>>)
      %dma_start3A_69 = arith.constant 2 : i32
      %dma_start3A_70 = arith.constant 2 : i32
      %dma_start3A_71 = arith.constant 0 : i32
      %dma_start3A_72 = arith.constant 0 : i32
      %dma_start3A_73 = tpu.memref_slice %arg6[%dma_start3A_70, %dma_start3A_71, %dma_start3A_72] : memref<4x128x128xf32, #tpu.memory_space<vmem>> -> memref<1x128x128xf32, #tpu.memory_space<vmem>>
      %dma_start3A_74 = tpu.memref_squeeze %dma_start3A_73 : memref<1x128x128xf32, #tpu.memory_space<vmem>> -> memref<128x128xf32, #tpu.memory_space<vmem>>
      %dma_start3A_75 = arith.constant 0 : i32
      %dma_start3A_76 = tpu.memref_slice %arg5[%dma_start3A_69, %scan3A_45, %dma_start3A_75] : memref<8x4x128xi32, #tpu.memory_space<vmem>> -> memref<1x1x128xi32, #tpu.memory_space<vmem>>
      %dma_start3A_77 = tpu.memref_squeeze %dma_start3A_76 : memref<1x1x128xi32, #tpu.memory_space<vmem>> -> memref<128xi32, #tpu.memory_space<vmem>>
      %dma_start3A_78 = arith.constant 0 : i32
      %dma_start3A_79 = arith.constant 0 : i32
      %dma_start3A_80 = tpu.memref_slice %arg3[%dma_start3A_78, %dma_start3A_79] : memref<100000x128xf32, #tpu.memory_space<hbm>> -> memref<100000x128xf32, #tpu.memory_space<hbm>>
      tpu.enqueue_indirect_dma source(%dma_start3A_80 : memref<100000x128xf32, #tpu.memory_space<hbm>>) target(%dma_start3A_74 : memref<128x128xf32, #tpu.memory_space<vmem>>) offsets(%dma_start3A_77 : memref<128xi32, #tpu.memory_space<vmem>>) semaphore(%arg7 : memref<!tpu.dma_semaphore, #tpu.memory_space<semaphore_mem>>)
      %dma_start3A_81 = arith.constant 3 : i32
      %dma_start3A_82 = arith.constant 3 : i32
      %dma_start3A_83 = arith.constant 0 : i32
      %dma_start3A_84 = arith.constant 0 : i32
      %dma_start3A_85 = tpu.memref_slice %arg6[%dma_start3A_82, %dma_start3A_83, %dma_start3A_84] : memref<4x128x128xf32, #tpu.memory_space<vmem>> -> memref<1x128x128xf32, #tpu.memory_space<vmem>>
      %dma_start3A_86 = tpu.memref_squeeze %dma_start3A_85 : memref<1x128x128xf32, #tpu.memory_space<vmem>> -> memref<128x128xf32, #tpu.memory_space<vmem>>
      %dma_start3A_87 = arith.constant 0 : i32
      %dma_start3A_88 = tpu.memref_slice %arg5[%dma_start3A_81, %scan3A_45, %dma_start3A_87] : memref<8x4x128xi32, #tpu.memory_space<vmem>> -> memref<1x1x128xi32, #tpu.memory_space<vmem>>
      %dma_start3A_89 = tpu.memref_squeeze %dma_start3A_88 : memref<1x1x128xi32, #tpu.memory_space<vmem>> -> memref<128xi32, #tpu.memory_space<vmem>>
      %dma_start3A_90 = arith.constant 0 : i32
      %dma_start3A_91 = arith.constant 0 : i32
      %dma_start3A_92 = tpu.memref_slice %arg3[%dma_start3A_90, %dma_start3A_91] : memref<100000x128xf32, #tpu.memory_space<hbm>> -> memref<100000x128xf32, #tpu.memory_space<hbm>>
      tpu.enqueue_indirect_dma source(%dma_start3A_92 : memref<100000x128xf32, #tpu.memory_space<hbm>>) target(%dma_start3A_86 : memref<128x128xf32, #tpu.memory_space<vmem>>) offsets(%dma_start3A_89 : memref<128xi32, #tpu.memory_space<vmem>>) semaphore(%arg7 : memref<!tpu.dma_semaphore, #tpu.memory_space<semaphore_mem>>)
      %dma_wait3A = arith.constant 0 : i32
      %dma_wait3A_93 = arith.constant 0 : i32
      %dma_wait3A_94 = arith.constant 0 : i32
      %dma_wait3A_95 = arith.constant 0 : i32
      %dma_wait3A_96 = tpu.memref_slice %arg6[%dma_wait3A_93, %dma_wait3A_94, %dma_wait3A_95] : memref<4x128x128xf32, #tpu.memory_space<vmem>> -> memref<1x128x128xf32, #tpu.memory_space<vmem>>
      %dma_wait3A_97 = tpu.memref_squeeze %dma_wait3A_96 : memref<1x128x128xf32, #tpu.memory_space<vmem>> -> memref<128x128xf32, #tpu.memory_space<vmem>>
      %dma_wait3A_98 = arith.constant 0 : i32
      %dma_wait3A_99 = tpu.memref_slice %arg5[%dma_wait3A, %scan3A_45, %dma_wait3A_98] : memref<8x4x128xi32, #tpu.memory_space<vmem>> -> memref<1x1x128xi32, #tpu.memory_space<vmem>>
      %dma_wait3A_100 = tpu.memref_squeeze %dma_wait3A_99 : memref<1x1x128xi32, #tpu.memory_space<vmem>> -> memref<128xi32, #tpu.memory_space<vmem>>
      %dma_wait3A_101 = arith.constant 0 : i32
      %dma_wait3A_102 = arith.constant 0 : i32
      %dma_wait3A_103 = tpu.memref_slice %arg3[%dma_wait3A_101, %dma_wait3A_102] : memref<100000x128xf32, #tpu.memory_space<hbm>> -> memref<100000x128xf32, #tpu.memory_space<hbm>>
      tpu.wait_indirect_dma semaphore(%arg7 : memref<!tpu.dma_semaphore, #tpu.memory_space<semaphore_mem>>) src(%dma_wait3A_103 : memref<100000x128xf32, #tpu.memory_space<hbm>>) dst(%dma_wait3A_97 : memref<128x128xf32, #tpu.memory_space<vmem>>)
      %dma_wait3A_104 = arith.constant 1 : i32
      %dma_wait3A_105 = arith.constant 1 : i32
      %dma_wait3A_106 = arith.constant 0 : i32
      %dma_wait3A_107 = arith.constant 0 : i32
      %dma_wait3A_108 = tpu.memref_slice %arg6[%dma_wait3A_105, %dma_wait3A_106, %dma_wait3A_107] : memref<4x128x128xf32, #tpu.memory_space<vmem>> -> memref<1x128x128xf32, #tpu.memory_space<vmem>>
      %dma_wait3A_109 = tpu.memref_squeeze %dma_wait3A_108 : memref<1x128x128xf32, #tpu.memory_space<vmem>> -> memref<128x128xf32, #tpu.memory_space<vmem>>
      %dma_wait3A_110 = arith.constant 0 : i32
      %dma_wait3A_111 = tpu.memref_slice %arg5[%dma_wait3A_104, %scan3A_45, %dma_wait3A_110] : memref<8x4x128xi32, #tpu.memory_space<vmem>> -> memref<1x1x128xi32, #tpu.memory_space<vmem>>
      %dma_wait3A_112 = tpu.memref_squeeze %dma_wait3A_111 : memref<1x1x128xi32, #tpu.memory_space<vmem>> -> memref<128xi32, #tpu.memory_space<vmem>>
      %dma_wait3A_113 = arith.constant 0 : i32
      %dma_wait3A_114 = arith.constant 0 : i32
      %dma_wait3A_115 = tpu.memref_slice %arg3[%dma_wait3A_113, %dma_wait3A_114] : memref<100000x128xf32, #tpu.memory_space<hbm>> -> memref<100000x128xf32, #tpu.memory_space<hbm>>
      tpu.wait_indirect_dma semaphore(%arg7 : memref<!tpu.dma_semaphore, #tpu.memory_space<semaphore_mem>>) src(%dma_wait3A_115 : memref<100000x128xf32, #tpu.memory_space<hbm>>) dst(%dma_wait3A_109 : memref<128x128xf32, #tpu.memory_space<vmem>>)
      %dma_wait3A_116 = arith.constant 2 : i32
      %dma_wait3A_117 = arith.constant 2 : i32
      %dma_wait3A_118 = arith.constant 0 : i32
      %dma_wait3A_119 = arith.constant 0 : i32
      %dma_wait3A_120 = tpu.memref_slice %arg6[%dma_wait3A_117, %dma_wait3A_118, %dma_wait3A_119] : memref<4x128x128xf32, #tpu.memory_space<vmem>> -> memref<1x128x128xf32, #tpu.memory_space<vmem>>
      %dma_wait3A_121 = tpu.memref_squeeze %dma_wait3A_120 : memref<1x128x128xf32, #tpu.memory_space<vmem>> -> memref<128x128xf32, #tpu.memory_space<vmem>>
      %dma_wait3A_122 = arith.constant 0 : i32
      %dma_wait3A_123 = tpu.memref_slice %arg5[%dma_wait3A_116, %scan3A_45, %dma_wait3A_122] : memref<8x4x128xi32, #tpu.memory_space<vmem>> -> memref<1x1x128xi32, #tpu.memory_space<vmem>>
      %dma_wait3A_124 = tpu.memref_squeeze %dma_wait3A_123 : memref<1x1x128xi32, #tpu.memory_space<vmem>> -> memref<128xi32, #tpu.memory_space<vmem>>
      %dma_wait3A_125 = arith.constant 0 : i32
      %dma_wait3A_126 = arith.constant 0 : i32
      %dma_wait3A_127 = tpu.memref_slice %arg3[%dma_wait3A_125, %dma_wait3A_126] : memref<100000x128xf32, #tpu.memory_space<hbm>> -> memref<100000x128xf32, #tpu.memory_space<hbm>>
      tpu.wait_indirect_dma semaphore(%arg7 : memref<!tpu.dma_semaphore, #tpu.memory_space<semaphore_mem>>) src(%dma_wait3A_127 : memref<100000x128xf32, #tpu.memory_space<hbm>>) dst(%dma_wait3A_121 : memref<128x128xf32, #tpu.memory_space<vmem>>)
      %dma_wait3A_128 = arith.constant 3 : i32
      %dma_wait3A_129 = arith.constant 3 : i32
      %dma_wait3A_130 = arith.constant 0 : i32
      %dma_wait3A_131 = arith.constant 0 : i32
      %dma_wait3A_132 = tpu.memref_slice %arg6[%dma_wait3A_129, %dma_wait3A_130, %dma_wait3A_131] : memref<4x128x128xf32, #tpu.memory_space<vmem>> -> memref<1x128x128xf32, #tpu.memory_space<vmem>>
      %dma_wait3A_133 = tpu.memref_squeeze %dma_wait3A_132 : memref<1x128x128xf32, #tpu.memory_space<vmem>> -> memref<128x128xf32, #tpu.memory_space<vmem>>
      %dma_wait3A_134 = arith.constant 0 : i32
      %dma_wait3A_135 = tpu.memref_slice %arg5[%dma_wait3A_128, %scan3A_45, %dma_wait3A_134] : memref<8x4x128xi32, #tpu.memory_space<vmem>> -> memref<1x1x128xi32, #tpu.memory_space<vmem>>
      %dma_wait3A_136 = tpu.memref_squeeze %dma_wait3A_135 : memref<1x1x128xi32, #tpu.memory_space<vmem>> -> memref<128xi32, #tpu.memory_space<vmem>>
      %dma_wait3A_137 = arith.constant 0 : i32
      %dma_wait3A_138 = arith.constant 0 : i32
      %dma_wait3A_139 = tpu.memref_slice %arg3[%dma_wait3A_137, %dma_wait3A_138] : memref<100000x128xf32, #tpu.memory_space<hbm>> -> memref<100000x128xf32, #tpu.memory_space<hbm>>
      tpu.wait_indirect_dma semaphore(%arg7 : memref<!tpu.dma_semaphore, #tpu.memory_space<semaphore_mem>>) src(%dma_wait3A_139 : memref<100000x128xf32, #tpu.memory_space<hbm>>) dst(%dma_wait3A_133 : memref<128x128xf32, #tpu.memory_space<vmem>>)
      %run_scoped3A_140 = arith.constant 0 : i32
      %run_scoped3A_141 = arith.constant 0 : i32
      "tpu.region"() ({
        %run_scoped3A_254 = tpu.sem_alloc : memref<!tpu.dma_semaphore, #tpu.memory_space<semaphore_mem>>
        %dma_start3A_255 = arith.constant 0 : i32
        %dma_start3A_256 = arith.constant 0 : i32
        %dma_start3A_257 = tpu.memref_slice %arg6[%run_scoped3A_140, %dma_start3A_255, %dma_start3A_256] : memref<4x128x128xf32, #tpu.memory_space<vmem>> -> memref<1x128x128xf32, #tpu.memory_space<vmem>>
        %dma_start3A_258 = tpu.memref_squeeze %dma_start3A_257 : memref<1x128x128xf32, #tpu.memory_space<vmem>> -> memref<128x128xf32, #tpu.memory_space<vmem>>
        %dma_start3A_259 = arith.constant 0 : i32
        %dma_start3A_260 = arith.constant 0 : i32
        %dma_start3A_261 = tpu.memref_slice %arg4[%run_scoped3A_141, %add3A, %scan3A_45, %dma_start3A_259, %dma_start3A_260] : memref<5x32x4x128x128xf32, #tpu.memory_space<hbm>> -> memref<1x1x1x128x128xf32, #tpu.memory_space<hbm>>
        %dma_start3A_262 = tpu.memref_squeeze %dma_start3A_261 : memref<1x1x1x128x128xf32, #tpu.memory_space<hbm>> -> memref<128x128xf32, #tpu.memory_space<hbm>>
        %dma_start3A_263 = arith.constant 0 : i32
        %dma_start3A_264 = arith.constant 0 : i32
        %dma_start3A_265 = tpu.memref_slice %arg4[%run_scoped3A_141, %add3A, %scan3A_45, %dma_start3A_263, %dma_start3A_264] : memref<5x32x4x128x128xf32, #tpu.memory_space<hbm>> -> memref<1x1x1x128x128xf32, #tpu.memory_space<hbm>>
        %dma_start3A_266 = tpu.memref_squeeze %dma_start3A_265 : memref<1x1x1x128x128xf32, #tpu.memory_space<hbm>> -> memref<128x128xf32, #tpu.memory_space<hbm>>
        %dma_start3A_267 = arith.constant 0 : i32
        %dma_start3A_268 = arith.constant 0 : i32
        %dma_start3A_269 = tpu.memref_slice %arg6[%run_scoped3A_140, %dma_start3A_267, %dma_start3A_268] : memref<4x128x128xf32, #tpu.memory_space<vmem>> -> memref<1x128x128xf32, #tpu.memory_space<vmem>>
        %dma_start3A_270 = tpu.memref_squeeze %dma_start3A_269 : memref<1x128x128xf32, #tpu.memory_space<vmem>> -> memref<128x128xf32, #tpu.memory_space<vmem>>
        tpu.enqueue_dma source(%dma_start3A_270 : memref<128x128xf32, #tpu.memory_space<vmem>>) target(%dma_start3A_266 : memref<128x128xf32, #tpu.memory_space<hbm>>) target_semaphore(%run_scoped3A_254 : memref<!tpu.dma_semaphore, #tpu.memory_space<semaphore_mem>>)
        %dma_wait3A_271 = arith.constant 0 : i32
        %dma_wait3A_272 = arith.constant 0 : i32
        %dma_wait3A_273 = tpu.memref_slice %arg6[%run_scoped3A_140, %dma_wait3A_271, %dma_wait3A_272] : memref<4x128x128xf32, #tpu.memory_space<vmem>> -> memref<1x128x128xf32, #tpu.memory_space<vmem>>
        %dma_wait3A_274 = tpu.memref_squeeze %dma_wait3A_273 : memref<1x128x128xf32, #tpu.memory_space<vmem>> -> memref<128x128xf32, #tpu.memory_space<vmem>>
        %dma_wait3A_275 = arith.constant 0 : i32
        %dma_wait3A_276 = arith.constant 0 : i32
        %dma_wait3A_277 = tpu.memref_slice %arg4[%run_scoped3A_141, %add3A, %scan3A_45, %dma_wait3A_275, %dma_wait3A_276] : memref<5x32x4x128x128xf32, #tpu.memory_space<hbm>> -> memref<1x1x1x128x128xf32, #tpu.memory_space<hbm>>
        %dma_wait3A_278 = tpu.memref_squeeze %dma_wait3A_277 : memref<1x1x1x128x128xf32, #tpu.memory_space<hbm>> -> memref<128x128xf32, #tpu.memory_space<hbm>>
        %dma_wait3A_279 = arith.constant 0 : i32
        %dma_wait3A_280 = arith.constant 0 : i32
        %dma_wait3A_281 = tpu.memref_slice %arg4[%run_scoped3A_141, %add3A, %scan3A_45, %dma_wait3A_279, %dma_wait3A_280] : memref<5x32x4x128x128xf32, #tpu.memory_space<hbm>> -> memref<1x1x1x128x128xf32, #tpu.memory_space<hbm>>
        %dma_wait3A_282 = tpu.memref_squeeze %dma_wait3A_281 : memref<1x1x1x128x128xf32, #tpu.memory_space<hbm>> -> memref<128x128xf32, #tpu.memory_space<hbm>>
        %dma_wait3A_283 = arith.constant 0 : i32
        %dma_wait3A_284 = arith.constant 0 : i32
        %dma_wait3A_285 = tpu.memref_slice %arg6[%run_scoped3A_140, %dma_wait3A_283, %dma_wait3A_284] : memref<4x128x128xf32, #tpu.memory_space<vmem>> -> memref<1x128x128xf32, #tpu.memory_space<vmem>>
        %dma_wait3A_286 = tpu.memref_squeeze %dma_wait3A_285 : memref<1x128x128xf32, #tpu.memory_space<vmem>> -> memref<128x128xf32, #tpu.memory_space<vmem>>
        tpu.wait_dma2 semaphore(%run_scoped3A_254 : memref<!tpu.dma_semaphore, #tpu.memory_space<semaphore_mem>>) src(%dma_wait3A_286 : memref<128x128xf32, #tpu.memory_space<vmem>>) dst(%dma_wait3A_282 : memref<128x128xf32, #tpu.memory_space<hbm>>)
        tpu.yield
      }) : () -> ()
      %run_scoped3A_142 = arith.constant 1 : i32
      %run_scoped3A_143 = arith.constant 1 : i32
      "tpu.region"() ({
        %run_scoped3A_254 = tpu.sem_alloc : memref<!tpu.dma_semaphore, #tpu.memory_space<semaphore_mem>>
        %dma_start3A_255 = arith.constant 0 : i32
        %dma_start3A_256 = arith.constant 0 : i32
        %dma_start3A_257 = tpu.memref_slice %arg6[%run_scoped3A_142, %dma_start3A_255, %dma_start3A_256] : memref<4x128x128xf32, #tpu.memory_space<vmem>> -> memref<1x128x64xf32, #tpu.memory_space<vmem>>
        %dma_start3A_258 = tpu.memref_squeeze %dma_start3A_257 : memref<1x128x64xf32, #tpu.memory_space<vmem>> -> memref<128x64xf32, #tpu.memory_space<vmem>>
        %dma_start3A_259 = arith.constant 0 : i32
        %dma_start3A_260 = arith.constant 0 : i32
        %dma_start3A_261 = tpu.memref_slice %arg4[%run_scoped3A_143, %add3A, %scan3A_45, %dma_start3A_259, %dma_start3A_260] : memref<5x32x4x128x128xf32, #tpu.memory_space<hbm>> -> memref<1x1x1x128x64xf32, #tpu.memory_space<hbm>>
        %dma_start3A_262 = tpu.memref_squeeze %dma_start3A_261 : memref<1x1x1x128x64xf32, #tpu.memory_space<hbm>> -> memref<128x64xf32, #tpu.memory_space<hbm>>
        %dma_start3A_263 = arith.constant 0 : i32
        %dma_start3A_264 = arith.constant 0 : i32
        %dma_start3A_265 = tpu.memref_slice %arg4[%run_scoped3A_143, %add3A, %scan3A_45, %dma_start3A_263, %dma_start3A_264] : memref<5x32x4x128x128xf32, #tpu.memory_space<hbm>> -> memref<1x1x1x128x64xf32, #tpu.memory_space<hbm>>
        %dma_start3A_266 = tpu.memref_squeeze %dma_start3A_265 : memref<1x1x1x128x64xf32, #tpu.memory_space<hbm>> -> memref<128x64xf32, #tpu.memory_space<hbm>>
        %dma_start3A_267 = arith.constant 0 : i32
        %dma_start3A_268 = arith.constant 0 : i32
        %dma_start3A_269 = tpu.memref_slice %arg6[%run_scoped3A_142, %dma_start3A_267, %dma_start3A_268] : memref<4x128x128xf32, #tpu.memory_space<vmem>> -> memref<1x128x64xf32, #tpu.memory_space<vmem>>
        %dma_start3A_270 = tpu.memref_squeeze %dma_start3A_269 : memref<1x128x64xf32, #tpu.memory_space<vmem>> -> memref<128x64xf32, #tpu.memory_space<vmem>>
        tpu.enqueue_dma source(%dma_start3A_270 : memref<128x64xf32, #tpu.memory_space<vmem>>) target(%dma_start3A_266 : memref<128x64xf32, #tpu.memory_space<hbm>>) target_semaphore(%run_scoped3A_254 : memref<!tpu.dma_semaphore, #tpu.memory_space<semaphore_mem>>)
        %dma_wait3A_271 = arith.constant 0 : i32
        %dma_wait3A_272 = arith.constant 0 : i32
        %dma_wait3A_273 = tpu.memref_slice %arg6[%run_scoped3A_142, %dma_wait3A_271, %dma_wait3A_272] : memref<4x128x128xf32, #tpu.memory_space<vmem>> -> memref<1x128x64xf32, #tpu.memory_space<vmem>>
        %dma_wait3A_274 = tpu.memref_squeeze %dma_wait3A_273 : memref<1x128x64xf32, #tpu.memory_space<vmem>> -> memref<128x64xf32, #tpu.memory_space<vmem>>
        %dma_wait3A_275 = arith.constant 0 : i32
        %dma_wait3A_276 = arith.constant 0 : i32
        %dma_wait3A_277 = tpu.memref_slice %arg4[%run_scoped3A_143, %add3A, %scan3A_45, %dma_wait3A_275, %dma_wait3A_276] : memref<5x32x4x128x128xf32, #tpu.memory_space<hbm>> -> memref<1x1x1x128x64xf32, #tpu.memory_space<hbm>>
        %dma_wait3A_278 = tpu.memref_squeeze %dma_wait3A_277 : memref<1x1x1x128x64xf32, #tpu.memory_space<hbm>> -> memref<128x64xf32, #tpu.memory_space<hbm>>
        %dma_wait3A_279 = arith.constant 0 : i32
        %dma_wait3A_280 = arith.constant 0 : i32
        %dma_wait3A_281 = tpu.memref_slice %arg4[%run_scoped3A_143, %add3A, %scan3A_45, %dma_wait3A_279, %dma_wait3A_280] : memref<5x32x4x128x128xf32, #tpu.memory_space<hbm>> -> memref<1x1x1x128x64xf32, #tpu.memory_space<hbm>>
        %dma_wait3A_282 = tpu.memref_squeeze %dma_wait3A_281 : memref<1x1x1x128x64xf32, #tpu.memory_space<hbm>> -> memref<128x64xf32, #tpu.memory_space<hbm>>
        %dma_wait3A_283 = arith.constant 0 : i32
        %dma_wait3A_284 = arith.constant 0 : i32
        %dma_wait3A_285 = tpu.memref_slice %arg6[%run_scoped3A_142, %dma_wait3A_283, %dma_wait3A_284] : memref<4x128x128xf32, #tpu.memory_space<vmem>> -> memref<1x128x64xf32, #tpu.memory_space<vmem>>
        %dma_wait3A_286 = tpu.memref_squeeze %dma_wait3A_285 : memref<1x128x64xf32, #tpu.memory_space<vmem>> -> memref<128x64xf32, #tpu.memory_space<vmem>>
        tpu.wait_dma2 semaphore(%run_scoped3A_254 : memref<!tpu.dma_semaphore, #tpu.memory_space<semaphore_mem>>) src(%dma_wait3A_286 : memref<128x64xf32, #tpu.memory_space<vmem>>) dst(%dma_wait3A_282 : memref<128x64xf32, #tpu.memory_space<hbm>>)
        tpu.yield
      }) : () -> ()
      %run_scoped3A_144 = arith.constant 2 : i32
      %run_scoped3A_145 = arith.constant 1 : i32
      "tpu.region"() ({
        %run_scoped3A_254 = tpu.sem_alloc : memref<!tpu.dma_semaphore, #tpu.memory_space<semaphore_mem>>
        %dma_start3A_255 = arith.constant 0 : i32
        %dma_start3A_256 = arith.constant 0 : i32
        %dma_start3A_257 = tpu.memref_slice %arg6[%run_scoped3A_144, %dma_start3A_255, %dma_start3A_256] : memref<4x128x128xf32, #tpu.memory_space<vmem>> -> memref<1x128x64xf32, #tpu.memory_space<vmem>>
        %dma_start3A_258 = tpu.memref_squeeze %dma_start3A_257 : memref<1x128x64xf32, #tpu.memory_space<vmem>> -> memref<128x64xf32, #tpu.memory_space<vmem>>
        %dma_start3A_259 = arith.constant 0 : i32
        %dma_start3A_260 = arith.constant 64 : i32
        %dma_start3A_261 = tpu.memref_slice %arg4[%run_scoped3A_145, %add3A, %scan3A_45, %dma_start3A_259, %dma_start3A_260] : memref<5x32x4x128x128xf32, #tpu.memory_space<hbm>> -> memref<1x1x1x128x64xf32, #tpu.memory_space<hbm>>
        %dma_start3A_262 = tpu.memref_squeeze %dma_start3A_261 : memref<1x1x1x128x64xf32, #tpu.memory_space<hbm>> -> memref<128x64xf32, #tpu.memory_space<hbm>>
        %dma_start3A_263 = arith.constant 0 : i32
        %dma_start3A_264 = arith.constant 64 : i32
        %dma_start3A_265 = tpu.memref_slice %arg4[%run_scoped3A_145, %add3A, %scan3A_45, %dma_start3A_263, %dma_start3A_264] : memref<5x32x4x128x128xf32, #tpu.memory_space<hbm>> -> memref<1x1x1x128x64xf32, #tpu.memory_space<hbm>>
        %dma_start3A_266 = tpu.memref_squeeze %dma_start3A_265 : memref<1x1x1x128x64xf32, #tpu.memory_space<hbm>> -> memref<128x64xf32, #tpu.memory_space<hbm>>
        %dma_start3A_267 = arith.constant 0 : i32
        %dma_start3A_268 = arith.constant 0 : i32
        %dma_start3A_269 = tpu.memref_slice %arg6[%run_scoped3A_144, %dma_start3A_267, %dma_start3A_268] : memref<4x128x128xf32, #tpu.memory_space<vmem>> -> memref<1x128x64xf32, #tpu.memory_space<vmem>>
        %dma_start3A_270 = tpu.memref_squeeze %dma_start3A_269 : memref<1x128x64xf32, #tpu.memory_space<vmem>> -> memref<128x64xf32, #tpu.memory_space<vmem>>
        tpu.enqueue_dma source(%dma_start3A_270 : memref<128x64xf32, #tpu.memory_space<vmem>>) target(%dma_start3A_266 : memref<128x64xf32, #tpu.memory_space<hbm>>) target_semaphore(%run_scoped3A_254 : memref<!tpu.dma_semaphore, #tpu.memory_space<semaphore_mem>>)
        %dma_wait3A_271 = arith.constant 0 : i32
        %dma_wait3A_272 = arith.constant 0 : i32
        %dma_wait3A_273 = tpu.memref_slice %arg6[%run_scoped3A_144, %dma_wait3A_271, %dma_wait3A_272] : memref<4x128x128xf32, #tpu.memory_space<vmem>> -> memref<1x128x64xf32, #tpu.memory_space<vmem>>
        %dma_wait3A_274 = tpu.memref_squeeze %dma_wait3A_273 : memref<1x128x64xf32, #tpu.memory_space<vmem>> -> memref<128x64xf32, #tpu.memory_space<vmem>>
        %dma_wait3A_275 = arith.constant 0 : i32
        %dma_wait3A_276 = arith.constant 64 : i32
        %dma_wait3A_277 = tpu.memref_slice %arg4[%run_scoped3A_145, %add3A, %scan3A_45, %dma_wait3A_275, %dma_wait3A_276] : memref<5x32x4x128x128xf32, #tpu.memory_space<hbm>> -> memref<1x1x1x128x64xf32, #tpu.memory_space<hbm>>
        %dma_wait3A_278 = tpu.memref_squeeze %dma_wait3A_277 : memref<1x1x1x128x64xf32, #tpu.memory_space<hbm>> -> memref<128x64xf32, #tpu.memory_space<hbm>>
        %dma_wait3A_279 = arith.constant 0 : i32
        %dma_wait3A_280 = arith.constant 64 : i32
        %dma_wait3A_281 = tpu.memref_slice %arg4[%run_scoped3A_145, %add3A, %scan3A_45, %dma_wait3A_279, %dma_wait3A_280] : memref<5x32x4x128x128xf32, #tpu.memory_space<hbm>> -> memref<1x1x1x128x64xf32, #tpu.memory_space<hbm>>
        %dma_wait3A_282 = tpu.memref_squeeze %dma_wait3A_281 : memref<1x1x1x128x64xf32, #tpu.memory_space<hbm>> -> memref<128x64xf32, #tpu.memory_space<hbm>>
        %dma_wait3A_283 = arith.constant 0 : i32
        %dma_wait3A_284 = arith.constant 0 : i32
        %dma_wait3A_285 = tpu.memref_slice %arg6[%run_scoped3A_144, %dma_wait3A_283, %dma_wait3A_284] : memref<4x128x128xf32, #tpu.memory_space<vmem>> -> memref<1x128x64xf32, #tpu.memory_space<vmem>>
        %dma_wait3A_286 = tpu.memref_squeeze %dma_wait3A_285 : memref<1x128x64xf32, #tpu.memory_space<vmem>> -> memref<128x64xf32, #tpu.memory_space<vmem>>
        tpu.wait_dma2 semaphore(%run_scoped3A_254 : memref<!tpu.dma_semaphore, #tpu.memory_space<semaphore_mem>>) src(%dma_wait3A_286 : memref<128x64xf32, #tpu.memory_space<vmem>>) dst(%dma_wait3A_282 : memref<128x64xf32, #tpu.memory_space<hbm>>)
        tpu.yield
      }) : () -> ()
      %run_scoped3A_146 = arith.constant 3 : i32
      %run_scoped3A_147 = arith.constant 2 : i32
      "tpu.region"() ({
        %run_scoped3A_254 = tpu.sem_alloc : memref<!tpu.dma_semaphore, #tpu.memory_space<semaphore_mem>>
        %dma_start3A_255 = arith.constant 0 : i32
        %dma_start3A_256 = arith.constant 0 : i32
        %dma_start3A_257 = tpu.memref_slice %arg6[%run_scoped3A_146, %dma_start3A_255, %dma_start3A_256] : memref<4x128x128xf32, #tpu.memory_space<vmem>> -> memref<1x128x64xf32, #tpu.memory_space<vmem>>
        %dma_start3A_258 = tpu.memref_squeeze %dma_start3A_257 : memref<1x128x64xf32, #tpu.memory_space<vmem>> -> memref<128x64xf32, #tpu.memory_space<vmem>>
        %dma_start3A_259 = arith.constant 0 : i32
        %dma_start3A_260 = arith.constant 0 : i32
        %dma_start3A_261 = tpu.memref_slice %arg4[%run_scoped3A_147, %add3A, %scan3A_45, %dma_start3A_259, %dma_start3A_260] : memref<5x32x4x128x128xf32, #tpu.memory_space<hbm>> -> memref<1x1x1x128x64xf32, #tpu.memory_space<hbm>>
        %dma_start3A_262 = tpu.memref_squeeze %dma_start3A_261 : memref<1x1x1x128x64xf32, #tpu.memory_space<hbm>> -> memref<128x64xf32, #tpu.memory_space<hbm>>
        %dma_start3A_263 = arith.constant 0 : i32
        %dma_start3A_264 = arith.constant 0 : i32
        %dma_start3A_265 = tpu.memref_slice %arg4[%run_scoped3A_147, %add3A, %scan3A_45, %dma_start3A_263, %dma_start3A_264] : memref<5x32x4x128x128xf32, #tpu.memory_space<hbm>> -> memref<1x1x1x128x64xf32, #tpu.memory_space<hbm>>
        %dma_start3A_266 = tpu.memref_squeeze %dma_start3A_265 : memref<1x1x1x128x64xf32, #tpu.memory_space<hbm>> -> memref<128x64xf32, #tpu.memory_space<hbm>>
        %dma_start3A_267 = arith.constant 0 : i32
        %dma_start3A_268 = arith.constant 0 : i32
        %dma_start3A_269 = tpu.memref_slice %arg6[%run_scoped3A_146, %dma_start3A_267, %dma_start3A_268] : memref<4x128x128xf32, #tpu.memory_space<vmem>> -> memref<1x128x64xf32, #tpu.memory_space<vmem>>
        %dma_start3A_270 = tpu.memref_squeeze %dma_start3A_269 : memref<1x128x64xf32, #tpu.memory_space<vmem>> -> memref<128x64xf32, #tpu.memory_space<vmem>>
        tpu.enqueue_dma source(%dma_start3A_270 : memref<128x64xf32, #tpu.memory_space<vmem>>) target(%dma_start3A_266 : memref<128x64xf32, #tpu.memory_space<hbm>>) target_semaphore(%run_scoped3A_254 : memref<!tpu.dma_semaphore, #tpu.memory_space<semaphore_mem>>)
        %dma_wait3A_271 = arith.constant 0 : i32
        %dma_wait3A_272 = arith.constant 0 : i32
        %dma_wait3A_273 = tpu.memref_slice %arg6[%run_scoped3A_146, %dma_wait3A_271, %dma_wait3A_272] : memref<4x128x128xf32, #tpu.memory_space<vmem>> -> memref<1x128x64xf32, #tpu.memory_space<vmem>>
        %dma_wait3A_274 = tpu.memref_squeeze %dma_wait3A_273 : memref<1x128x64xf32, #tpu.memory_space<vmem>> -> memref<128x64xf32, #tpu.memory_space<vmem>>
        %dma_wait3A_275 = arith.constant 0 : i32
        %dma_wait3A_276 = arith.constant 0 : i32
        %dma_wait3A_277 = tpu.memref_slice %arg4[%run_scoped3A_147, %add3A, %scan3A_45, %dma_wait3A_275, %dma_wait3A_276] : memref<5x32x4x128x128xf32, #tpu.memory_space<hbm>> -> memref<1x1x1x128x64xf32, #tpu.memory_space<hbm>>
        %dma_wait3A_278 = tpu.memref_squeeze %dma_wait3A_277 : memref<1x1x1x128x64xf32, #tpu.memory_space<hbm>> -> memref<128x64xf32, #tpu.memory_space<hbm>>
        %dma_wait3A_279 = arith.constant 0 : i32
        %dma_wait3A_280 = arith.constant 0 : i32
        %dma_wait3A_281 = tpu.memref_slice %arg4[%run_scoped3A_147, %add3A, %scan3A_45, %dma_wait3A_279, %dma_wait3A_280] : memref<5x32x4x128x128xf32, #tpu.memory_space<hbm>> -> memref<1x1x1x128x64xf32, #tpu.memory_space<hbm>>
        %dma_wait3A_282 = tpu.memref_squeeze %dma_wait3A_281 : memref<1x1x1x128x64xf32, #tpu.memory_space<hbm>> -> memref<128x64xf32, #tpu.memory_space<hbm>>
        %dma_wait3A_283 = arith.constant 0 : i32
        %dma_wait3A_284 = arith.constant 0 : i32
        %dma_wait3A_285 = tpu.memref_slice %arg6[%run_scoped3A_146, %dma_wait3A_283, %dma_wait3A_284] : memref<4x128x128xf32, #tpu.memory_space<vmem>> -> memref<1x128x64xf32, #tpu.memory_space<vmem>>
        %dma_wait3A_286 = tpu.memref_squeeze %dma_wait3A_285 : memref<1x128x64xf32, #tpu.memory_space<vmem>> -> memref<128x64xf32, #tpu.memory_space<vmem>>
        tpu.wait_dma2 semaphore(%run_scoped3A_254 : memref<!tpu.dma_semaphore, #tpu.memory_space<semaphore_mem>>) src(%dma_wait3A_286 : memref<128x64xf32, #tpu.memory_space<vmem>>) dst(%dma_wait3A_282 : memref<128x64xf32, #tpu.memory_space<hbm>>)
        tpu.yield
      }) : () -> ()
      %dma_start3A_148 = arith.constant 4 : i32
      %dma_start3A_149 = arith.constant 0 : i32
      %dma_start3A_150 = arith.constant 0 : i32
      %dma_start3A_151 = arith.constant 0 : i32
      %dma_start3A_152 = tpu.memref_slice %arg6[%dma_start3A_149, %dma_start3A_150, %dma_start3A_151] : memref<4x128x128xf32, #tpu.memory_space<vmem>> -> memref<1x128x128xf32, #tpu.memory_space<vmem>>
      %dma_start3A_153 = tpu.memref_squeeze %dma_start3A_152 : memref<1x128x128xf32, #tpu.memory_space<vmem>> -> memref<128x128xf32, #tpu.memory_space<vmem>>
      %dma_start3A_154 = arith.constant 0 : i32
      %dma_start3A_155 = tpu.memref_slice %arg5[%dma_start3A_148, %scan3A_45, %dma_start3A_154] : memref<8x4x128xi32, #tpu.memory_space<vmem>> -> memref<1x1x128xi32, #tpu.memory_space<vmem>>
      %dma_start3A_156 = tpu.memref_squeeze %dma_start3A_155 : memref<1x1x128xi32, #tpu.memory_space<vmem>> -> memref<128xi32, #tpu.memory_space<vmem>>
      %dma_start3A_157 = arith.constant 0 : i32
      %dma_start3A_158 = arith.constant 0 : i32
      %dma_start3A_159 = tpu.memref_slice %arg3[%dma_start3A_157, %dma_start3A_158] : memref<100000x128xf32, #tpu.memory_space<hbm>> -> memref<100000x128xf32, #tpu.memory_space<hbm>>
      tpu.enqueue_indirect_dma source(%dma_start3A_159 : memref<100000x128xf32, #tpu.memory_space<hbm>>) target(%dma_start3A_153 : memref<128x128xf32, #tpu.memory_space<vmem>>) offsets(%dma_start3A_156 : memref<128xi32, #tpu.memory_space<vmem>>) semaphore(%arg7 : memref<!tpu.dma_semaphore, #tpu.memory_space<semaphore_mem>>)
      %dma_start3A_160 = arith.constant 5 : i32
      %dma_start3A_161 = arith.constant 1 : i32
      %dma_start3A_162 = arith.constant 0 : i32
      %dma_start3A_163 = arith.constant 0 : i32
      %dma_start3A_164 = tpu.memref_slice %arg6[%dma_start3A_161, %dma_start3A_162, %dma_start3A_163] : memref<4x128x128xf32, #tpu.memory_space<vmem>> -> memref<1x128x128xf32, #tpu.memory_space<vmem>>
      %dma_start3A_165 = tpu.memref_squeeze %dma_start3A_164 : memref<1x128x128xf32, #tpu.memory_space<vmem>> -> memref<128x128xf32, #tpu.memory_space<vmem>>
      %dma_start3A_166 = arith.constant 0 : i32
      %dma_start3A_167 = tpu.memref_slice %arg5[%dma_start3A_160, %scan3A_45, %dma_start3A_166] : memref<8x4x128xi32, #tpu.memory_space<vmem>> -> memref<1x1x128xi32, #tpu.memory_space<vmem>>
      %dma_start3A_168 = tpu.memref_squeeze %dma_start3A_167 : memref<1x1x128xi32, #tpu.memory_space<vmem>> -> memref<128xi32, #tpu.memory_space<vmem>>
      %dma_start3A_169 = arith.constant 0 : i32
      %dma_start3A_170 = arith.constant 0 : i32
      %dma_start3A_171 = tpu.memref_slice %arg3[%dma_start3A_169, %dma_start3A_170] : memref<100000x128xf32, #tpu.memory_space<hbm>> -> memref<100000x128xf32, #tpu.memory_space<hbm>>
      tpu.enqueue_indirect_dma source(%dma_start3A_171 : memref<100000x128xf32, #tpu.memory_space<hbm>>) target(%dma_start3A_165 : memref<128x128xf32, #tpu.memory_space<vmem>>) offsets(%dma_start3A_168 : memref<128xi32, #tpu.memory_space<vmem>>) semaphore(%arg7 : memref<!tpu.dma_semaphore, #tpu.memory_space<semaphore_mem>>)
      %dma_start3A_172 = arith.constant 6 : i32
      %dma_start3A_173 = arith.constant 2 : i32
      %dma_start3A_174 = arith.constant 0 : i32
      %dma_start3A_175 = arith.constant 0 : i32
      %dma_start3A_176 = tpu.memref_slice %arg6[%dma_start3A_173, %dma_start3A_174, %dma_start3A_175] : memref<4x128x128xf32, #tpu.memory_space<vmem>> -> memref<1x128x128xf32, #tpu.memory_space<vmem>>
      %dma_start3A_177 = tpu.memref_squeeze %dma_start3A_176 : memref<1x128x128xf32, #tpu.memory_space<vmem>> -> memref<128x128xf32, #tpu.memory_space<vmem>>
      %dma_start3A_178 = arith.constant 0 : i32
      %dma_start3A_179 = tpu.memref_slice %arg5[%dma_start3A_172, %scan3A_45, %dma_start3A_178] : memref<8x4x128xi32, #tpu.memory_space<vmem>> -> memref<1x1x128xi32, #tpu.memory_space<vmem>>
      %dma_start3A_180 = tpu.memref_squeeze %dma_start3A_179 : memref<1x1x128xi32, #tpu.memory_space<vmem>> -> memref<128xi32, #tpu.memory_space<vmem>>
      %dma_start3A_181 = arith.constant 0 : i32
      %dma_start3A_182 = arith.constant 0 : i32
      %dma_start3A_183 = tpu.memref_slice %arg3[%dma_start3A_181, %dma_start3A_182] : memref<100000x128xf32, #tpu.memory_space<hbm>> -> memref<100000x128xf32, #tpu.memory_space<hbm>>
      tpu.enqueue_indirect_dma source(%dma_start3A_183 : memref<100000x128xf32, #tpu.memory_space<hbm>>) target(%dma_start3A_177 : memref<128x128xf32, #tpu.memory_space<vmem>>) offsets(%dma_start3A_180 : memref<128xi32, #tpu.memory_space<vmem>>) semaphore(%arg7 : memref<!tpu.dma_semaphore, #tpu.memory_space<semaphore_mem>>)
      %dma_start3A_184 = arith.constant 7 : i32
      %dma_start3A_185 = arith.constant 3 : i32
      %dma_start3A_186 = arith.constant 0 : i32
      %dma_start3A_187 = arith.constant 0 : i32
      %dma_start3A_188 = tpu.memref_slice %arg6[%dma_start3A_185, %dma_start3A_186, %dma_start3A_187] : memref<4x128x128xf32, #tpu.memory_space<vmem>> -> memref<1x128x128xf32, #tpu.memory_space<vmem>>
      %dma_start3A_189 = tpu.memref_squeeze %dma_start3A_188 : memref<1x128x128xf32, #tpu.memory_space<vmem>> -> memref<128x128xf32, #tpu.memory_space<vmem>>
      %dma_start3A_190 = arith.constant 0 : i32
      %dma_start3A_191 = tpu.memref_slice %arg5[%dma_start3A_184, %scan3A_45, %dma_start3A_190] : memref<8x4x128xi32, #tpu.memory_space<vmem>> -> memref<1x1x128xi32, #tpu.memory_space<vmem>>
      %dma_start3A_192 = tpu.memref_squeeze %dma_start3A_191 : memref<1x1x128xi32, #tpu.memory_space<vmem>> -> memref<128xi32, #tpu.memory_space<vmem>>
      %dma_start3A_193 = arith.constant 0 : i32
      %dma_start3A_194 = arith.constant 0 : i32
      %dma_start3A_195 = tpu.memref_slice %arg3[%dma_start3A_193, %dma_start3A_194] : memref<100000x128xf32, #tpu.memory_space<hbm>> -> memref<100000x128xf32, #tpu.memory_space<hbm>>
      tpu.enqueue_indirect_dma source(%dma_start3A_195 : memref<100000x128xf32, #tpu.memory_space<hbm>>) target(%dma_start3A_189 : memref<128x128xf32, #tpu.memory_space<vmem>>) offsets(%dma_start3A_192 : memref<128xi32, #tpu.memory_space<vmem>>) semaphore(%arg7 : memref<!tpu.dma_semaphore, #tpu.memory_space<semaphore_mem>>)
      %dma_wait3A_196 = arith.constant 4 : i32
      %dma_wait3A_197 = arith.constant 0 : i32
      %dma_wait3A_198 = arith.constant 0 : i32
      %dma_wait3A_199 = arith.constant 0 : i32
      %dma_wait3A_200 = tpu.memref_slice %arg6[%dma_wait3A_197, %dma_wait3A_198, %dma_wait3A_199] : memref<4x128x128xf32, #tpu.memory_space<vmem>> -> memref<1x128x128xf32, #tpu.memory_space<vmem>>
      %dma_wait3A_201 = tpu.memref_squeeze %dma_wait3A_200 : memref<1x128x128xf32, #tpu.memory_space<vmem>> -> memref<128x128xf32, #tpu.memory_space<vmem>>
      %dma_wait3A_202 = arith.constant 0 : i32
      %dma_wait3A_203 = tpu.memref_slice %arg5[%dma_wait3A_196, %scan3A_45, %dma_wait3A_202] : memref<8x4x128xi32, #tpu.memory_space<vmem>> -> memref<1x1x128xi32, #tpu.memory_space<vmem>>
      %dma_wait3A_204 = tpu.memref_squeeze %dma_wait3A_203 : memref<1x1x128xi32, #tpu.memory_space<vmem>> -> memref<128xi32, #tpu.memory_space<vmem>>
      %dma_wait3A_205 = arith.constant 0 : i32
      %dma_wait3A_206 = arith.constant 0 : i32
      %dma_wait3A_207 = tpu.memref_slice %arg3[%dma_wait3A_205, %dma_wait3A_206] : memref<100000x128xf32, #tpu.memory_space<hbm>> -> memref<100000x128xf32, #tpu.memory_space<hbm>>
      tpu.wait_indirect_dma semaphore(%arg7 : memref<!tpu.dma_semaphore, #tpu.memory_space<semaphore_mem>>) src(%dma_wait3A_207 : memref<100000x128xf32, #tpu.memory_space<hbm>>) dst(%dma_wait3A_201 : memref<128x128xf32, #tpu.memory_space<vmem>>)
      %dma_wait3A_208 = arith.constant 5 : i32
      %dma_wait3A_209 = arith.constant 1 : i32
      %dma_wait3A_210 = arith.constant 0 : i32
      %dma_wait3A_211 = arith.constant 0 : i32
      %dma_wait3A_212 = tpu.memref_slice %arg6[%dma_wait3A_209, %dma_wait3A_210, %dma_wait3A_211] : memref<4x128x128xf32, #tpu.memory_space<vmem>> -> memref<1x128x128xf32, #tpu.memory_space<vmem>>
      %dma_wait3A_213 = tpu.memref_squeeze %dma_wait3A_212 : memref<1x128x128xf32, #tpu.memory_space<vmem>> -> memref<128x128xf32, #tpu.memory_space<vmem>>
      %dma_wait3A_214 = arith.constant 0 : i32
      %dma_wait3A_215 = tpu.memref_slice %arg5[%dma_wait3A_208, %scan3A_45, %dma_wait3A_214] : memref<8x4x128xi32, #tpu.memory_space<vmem>> -> memref<1x1x128xi32, #tpu.memory_space<vmem>>
      %dma_wait3A_216 = tpu.memref_squeeze %dma_wait3A_215 : memref<1x1x128xi32, #tpu.memory_space<vmem>> -> memref<128xi32, #tpu.memory_space<vmem>>
      %dma_wait3A_217 = arith.constant 0 : i32
      %dma_wait3A_218 = arith.constant 0 : i32
      %dma_wait3A_219 = tpu.memref_slice %arg3[%dma_wait3A_217, %dma_wait3A_218] : memref<100000x128xf32, #tpu.memory_space<hbm>> -> memref<100000x128xf32, #tpu.memory_space<hbm>>
      tpu.wait_indirect_dma semaphore(%arg7 : memref<!tpu.dma_semaphore, #tpu.memory_space<semaphore_mem>>) src(%dma_wait3A_219 : memref<100000x128xf32, #tpu.memory_space<hbm>>) dst(%dma_wait3A_213 : memref<128x128xf32, #tpu.memory_space<vmem>>)
      %dma_wait3A_220 = arith.constant 6 : i32
      %dma_wait3A_221 = arith.constant 2 : i32
      %dma_wait3A_222 = arith.constant 0 : i32
      %dma_wait3A_223 = arith.constant 0 : i32
      %dma_wait3A_224 = tpu.memref_slice %arg6[%dma_wait3A_221, %dma_wait3A_222, %dma_wait3A_223] : memref<4x128x128xf32, #tpu.memory_space<vmem>> -> memref<1x128x128xf32, #tpu.memory_space<vmem>>
      %dma_wait3A_225 = tpu.memref_squeeze %dma_wait3A_224 : memref<1x128x128xf32, #tpu.memory_space<vmem>> -> memref<128x128xf32, #tpu.memory_space<vmem>>
      %dma_wait3A_226 = arith.constant 0 : i32
      %dma_wait3A_227 = tpu.memref_slice %arg5[%dma_wait3A_220, %scan3A_45, %dma_wait3A_226] : memref<8x4x128xi32, #tpu.memory_space<vmem>> -> memref<1x1x128xi32, #tpu.memory_space<vmem>>
      %dma_wait3A_228 = tpu.memref_squeeze %dma_wait3A_227 : memref<1x1x128xi32, #tpu.memory_space<vmem>> -> memref<128xi32, #tpu.memory_space<vmem>>
      %dma_wait3A_229 = arith.constant 0 : i32
      %dma_wait3A_230 = arith.constant 0 : i32
      %dma_wait3A_231 = tpu.memref_slice %arg3[%dma_wait3A_229, %dma_wait3A_230] : memref<100000x128xf32, #tpu.memory_space<hbm>> -> memref<100000x128xf32, #tpu.memory_space<hbm>>
      tpu.wait_indirect_dma semaphore(%arg7 : memref<!tpu.dma_semaphore, #tpu.memory_space<semaphore_mem>>) src(%dma_wait3A_231 : memref<100000x128xf32, #tpu.memory_space<hbm>>) dst(%dma_wait3A_225 : memref<128x128xf32, #tpu.memory_space<vmem>>)
      %dma_wait3A_232 = arith.constant 7 : i32
      %dma_wait3A_233 = arith.constant 3 : i32
      %dma_wait3A_234 = arith.constant 0 : i32
      %dma_wait3A_235 = arith.constant 0 : i32
      %dma_wait3A_236 = tpu.memref_slice %arg6[%dma_wait3A_233, %dma_wait3A_234, %dma_wait3A_235] : memref<4x128x128xf32, #tpu.memory_space<vmem>> -> memref<1x128x128xf32, #tpu.memory_space<vmem>>
      %dma_wait3A_237 = tpu.memref_squeeze %dma_wait3A_236 : memref<1x128x128xf32, #tpu.memory_space<vmem>> -> memref<128x128xf32, #tpu.memory_space<vmem>>
      %dma_wait3A_238 = arith.constant 0 : i32
      %dma_wait3A_239 = tpu.memref_slice %arg5[%dma_wait3A_232, %scan3A_45, %dma_wait3A_238] : memref<8x4x128xi32, #tpu.memory_space<vmem>> -> memref<1x1x128xi32, #tpu.memory_space<vmem>>
      %dma_wait3A_240 = tpu.memref_squeeze %dma_wait3A_239 : memref<1x1x128xi32, #tpu.memory_space<vmem>> -> memref<128xi32, #tpu.memory_space<vmem>>
      %dma_wait3A_241 = arith.constant 0 : i32
      %dma_wait3A_242 = arith.constant 0 : i32
      %dma_wait3A_243 = tpu.memref_slice %arg3[%dma_wait3A_241, %dma_wait3A_242] : memref<100000x128xf32, #tpu.memory_space<hbm>> -> memref<100000x128xf32, #tpu.memory_space<hbm>>
      tpu.wait_indirect_dma semaphore(%arg7 : memref<!tpu.dma_semaphore, #tpu.memory_space<semaphore_mem>>) src(%dma_wait3A_243 : memref<100000x128xf32, #tpu.memory_space<hbm>>) dst(%dma_wait3A_237 : memref<128x128xf32, #tpu.memory_space<vmem>>)
      %run_scoped3A_244 = arith.constant 0 : i32
      %run_scoped3A_245 = arith.constant 2 : i32
      "tpu.region"() ({
        %run_scoped3A_254 = tpu.sem_alloc : memref<!tpu.dma_semaphore, #tpu.memory_space<semaphore_mem>>
        %dma_start3A_255 = arith.constant 0 : i32
        %dma_start3A_256 = arith.constant 0 : i32
        %dma_start3A_257 = tpu.memref_slice %arg6[%run_scoped3A_244, %dma_start3A_255, %dma_start3A_256] : memref<4x128x128xf32, #tpu.memory_space<vmem>> -> memref<1x128x64xf32, #tpu.memory_space<vmem>>
        %dma_start3A_258 = tpu.memref_squeeze %dma_start3A_257 : memref<1x128x64xf32, #tpu.memory_space<vmem>> -> memref<128x64xf32, #tpu.memory_space<vmem>>
        %dma_start3A_259 = arith.constant 0 : i32
        %dma_start3A_260 = arith.constant 64 : i32
        %dma_start3A_261 = tpu.memref_slice %arg4[%run_scoped3A_245, %add3A, %scan3A_45, %dma_start3A_259, %dma_start3A_260] : memref<5x32x4x128x128xf32, #tpu.memory_space<hbm>> -> memref<1x1x1x128x64xf32, #tpu.memory_space<hbm>>
        %dma_start3A_262 = tpu.memref_squeeze %dma_start3A_261 : memref<1x1x1x128x64xf32, #tpu.memory_space<hbm>> -> memref<128x64xf32, #tpu.memory_space<hbm>>
        %dma_start3A_263 = arith.constant 0 : i32
        %dma_start3A_264 = arith.constant 64 : i32
        %dma_start3A_265 = tpu.memref_slice %arg4[%run_scoped3A_245, %add3A, %scan3A_45, %dma_start3A_263, %dma_start3A_264] : memref<5x32x4x128x128xf32, #tpu.memory_space<hbm>> -> memref<1x1x1x128x64xf32, #tpu.memory_space<hbm>>
        %dma_start3A_266 = tpu.memref_squeeze %dma_start3A_265 : memref<1x1x1x128x64xf32, #tpu.memory_space<hbm>> -> memref<128x64xf32, #tpu.memory_space<hbm>>
        %dma_start3A_267 = arith.constant 0 : i32
        %dma_start3A_268 = arith.constant 0 : i32
        %dma_start3A_269 = tpu.memref_slice %arg6[%run_scoped3A_244, %dma_start3A_267, %dma_start3A_268] : memref<4x128x128xf32, #tpu.memory_space<vmem>> -> memref<1x128x64xf32, #tpu.memory_space<vmem>>
        %dma_start3A_270 = tpu.memref_squeeze %dma_start3A_269 : memref<1x128x64xf32, #tpu.memory_space<vmem>> -> memref<128x64xf32, #tpu.memory_space<vmem>>
        tpu.enqueue_dma source(%dma_start3A_270 : memref<128x64xf32, #tpu.memory_space<vmem>>) target(%dma_start3A_266 : memref<128x64xf32, #tpu.memory_space<hbm>>) target_semaphore(%run_scoped3A_254 : memref<!tpu.dma_semaphore, #tpu.memory_space<semaphore_mem>>)
        %dma_wait3A_271 = arith.constant 0 : i32
        %dma_wait3A_272 = arith.constant 0 : i32
        %dma_wait3A_273 = tpu.memref_slice %arg6[%run_scoped3A_244, %dma_wait3A_271, %dma_wait3A_272] : memref<4x128x128xf32, #tpu.memory_space<vmem>> -> memref<1x128x64xf32, #tpu.memory_space<vmem>>
        %dma_wait3A_274 = tpu.memref_squeeze %dma_wait3A_273 : memref<1x128x64xf32, #tpu.memory_space<vmem>> -> memref<128x64xf32, #tpu.memory_space<vmem>>
        %dma_wait3A_275 = arith.constant 0 : i32
        %dma_wait3A_276 = arith.constant 64 : i32
        %dma_wait3A_277 = tpu.memref_slice %arg4[%run_scoped3A_245, %add3A, %scan3A_45, %dma_wait3A_275, %dma_wait3A_276] : memref<5x32x4x128x128xf32, #tpu.memory_space<hbm>> -> memref<1x1x1x128x64xf32, #tpu.memory_space<hbm>>
        %dma_wait3A_278 = tpu.memref_squeeze %dma_wait3A_277 : memref<1x1x1x128x64xf32, #tpu.memory_space<hbm>> -> memref<128x64xf32, #tpu.memory_space<hbm>>
        %dma_wait3A_279 = arith.constant 0 : i32
        %dma_wait3A_280 = arith.constant 64 : i32
        %dma_wait3A_281 = tpu.memref_slice %arg4[%run_scoped3A_245, %add3A, %scan3A_45, %dma_wait3A_279, %dma_wait3A_280] : memref<5x32x4x128x128xf32, #tpu.memory_space<hbm>> -> memref<1x1x1x128x64xf32, #tpu.memory_space<hbm>>
        %dma_wait3A_282 = tpu.memref_squeeze %dma_wait3A_281 : memref<1x1x1x128x64xf32, #tpu.memory_space<hbm>> -> memref<128x64xf32, #tpu.memory_space<hbm>>
        %dma_wait3A_283 = arith.constant 0 : i32
        %dma_wait3A_284 = arith.constant 0 : i32
        %dma_wait3A_285 = tpu.memref_slice %arg6[%run_scoped3A_244, %dma_wait3A_283, %dma_wait3A_284] : memref<4x128x128xf32, #tpu.memory_space<vmem>> -> memref<1x128x64xf32, #tpu.memory_space<vmem>>
        %dma_wait3A_286 = tpu.memref_squeeze %dma_wait3A_285 : memref<1x128x64xf32, #tpu.memory_space<vmem>> -> memref<128x64xf32, #tpu.memory_space<vmem>>
        tpu.wait_dma2 semaphore(%run_scoped3A_254 : memref<!tpu.dma_semaphore, #tpu.memory_space<semaphore_mem>>) src(%dma_wait3A_286 : memref<128x64xf32, #tpu.memory_space<vmem>>) dst(%dma_wait3A_282 : memref<128x64xf32, #tpu.memory_space<hbm>>)
        tpu.yield
      }) : () -> ()
      %run_scoped3A_246 = arith.constant 1 : i32
      %run_scoped3A_247 = arith.constant 3 : i32
      "tpu.region"() ({
        %run_scoped3A_254 = tpu.sem_alloc : memref<!tpu.dma_semaphore, #tpu.memory_space<semaphore_mem>>
        %dma_start3A_255 = arith.constant 0 : i32
        %dma_start3A_256 = arith.constant 0 : i32
        %dma_start3A_257 = tpu.memref_slice %arg6[%run_scoped3A_246, %dma_start3A_255, %dma_start3A_256] : memref<4x128x128xf32, #tpu.memory_space<vmem>> -> memref<1x128x64xf32, #tpu.memory_space<vmem>>
        %dma_start3A_258 = tpu.memref_squeeze %dma_start3A_257 : memref<1x128x64xf32, #tpu.memory_space<vmem>> -> memref<128x64xf32, #tpu.memory_space<vmem>>
        %dma_start3A_259 = arith.constant 0 : i32
        %dma_start3A_260 = arith.constant 0 : i32
        %dma_start3A_261 = tpu.memref_slice %arg4[%run_scoped3A_247, %add3A, %scan3A_45, %dma_start3A_259, %dma_start3A_260] : memref<5x32x4x128x128xf32, #tpu.memory_space<hbm>> -> memref<1x1x1x128x64xf32, #tpu.memory_space<hbm>>
        %dma_start3A_262 = tpu.memref_squeeze %dma_start3A_261 : memref<1x1x1x128x64xf32, #tpu.memory_space<hbm>> -> memref<128x64xf32, #tpu.memory_space<hbm>>
        %dma_start3A_263 = arith.constant 0 : i32
        %dma_start3A_264 = arith.constant 0 : i32
        %dma_start3A_265 = tpu.memref_slice %arg4[%run_scoped3A_247, %add3A, %scan3A_45, %dma_start3A_263, %dma_start3A_264] : memref<5x32x4x128x128xf32, #tpu.memory_space<hbm>> -> memref<1x1x1x128x64xf32, #tpu.memory_space<hbm>>
        %dma_start3A_266 = tpu.memref_squeeze %dma_start3A_265 : memref<1x1x1x128x64xf32, #tpu.memory_space<hbm>> -> memref<128x64xf32, #tpu.memory_space<hbm>>
        %dma_start3A_267 = arith.constant 0 : i32
        %dma_start3A_268 = arith.constant 0 : i32
        %dma_start3A_269 = tpu.memref_slice %arg6[%run_scoped3A_246, %dma_start3A_267, %dma_start3A_268] : memref<4x128x128xf32, #tpu.memory_space<vmem>> -> memref<1x128x64xf32, #tpu.memory_space<vmem>>
        %dma_start3A_270 = tpu.memref_squeeze %dma_start3A_269 : memref<1x128x64xf32, #tpu.memory_space<vmem>> -> memref<128x64xf32, #tpu.memory_space<vmem>>
        tpu.enqueue_dma source(%dma_start3A_270 : memref<128x64xf32, #tpu.memory_space<vmem>>) target(%dma_start3A_266 : memref<128x64xf32, #tpu.memory_space<hbm>>) target_semaphore(%run_scoped3A_254 : memref<!tpu.dma_semaphore, #tpu.memory_space<semaphore_mem>>)
        %dma_wait3A_271 = arith.constant 0 : i32
        %dma_wait3A_272 = arith.constant 0 : i32
        %dma_wait3A_273 = tpu.memref_slice %arg6[%run_scoped3A_246, %dma_wait3A_271, %dma_wait3A_272] : memref<4x128x128xf32, #tpu.memory_space<vmem>> -> memref<1x128x64xf32, #tpu.memory_space<vmem>>
        %dma_wait3A_274 = tpu.memref_squeeze %dma_wait3A_273 : memref<1x128x64xf32, #tpu.memory_space<vmem>> -> memref<128x64xf32, #tpu.memory_space<vmem>>
        %dma_wait3A_275 = arith.constant 0 : i32
        %dma_wait3A_276 = arith.constant 0 : i32
        %dma_wait3A_277 = tpu.memref_slice %arg4[%run_scoped3A_247, %add3A, %scan3A_45, %dma_wait3A_275, %dma_wait3A_276] : memref<5x32x4x128x128xf32, #tpu.memory_space<hbm>> -> memref<1x1x1x128x64xf32, #tpu.memory_space<hbm>>
        %dma_wait3A_278 = tpu.memref_squeeze %dma_wait3A_277 : memref<1x1x1x128x64xf32, #tpu.memory_space<hbm>> -> memref<128x64xf32, #tpu.memory_space<hbm>>
        %dma_wait3A_279 = arith.constant 0 : i32
        %dma_wait3A_280 = arith.constant 0 : i32
        %dma_wait3A_281 = tpu.memref_slice %arg4[%run_scoped3A_247, %add3A, %scan3A_45, %dma_wait3A_279, %dma_wait3A_280] : memref<5x32x4x128x128xf32, #tpu.memory_space<hbm>> -> memref<1x1x1x128x64xf32, #tpu.memory_space<hbm>>
        %dma_wait3A_282 = tpu.memref_squeeze %dma_wait3A_281 : memref<1x1x1x128x64xf32, #tpu.memory_space<hbm>> -> memref<128x64xf32, #tpu.memory_space<hbm>>
        %dma_wait3A_283 = arith.constant 0 : i32
        %dma_wait3A_284 = arith.constant 0 : i32
        %dma_wait3A_285 = tpu.memref_slice %arg6[%run_scoped3A_246, %dma_wait3A_283, %dma_wait3A_284] : memref<4x128x128xf32, #tpu.memory_space<vmem>> -> memref<1x128x64xf32, #tpu.memory_space<vmem>>
        %dma_wait3A_286 = tpu.memref_squeeze %dma_wait3A_285 : memref<1x128x64xf32, #tpu.memory_space<vmem>> -> memref<128x64xf32, #tpu.memory_space<vmem>>
        tpu.wait_dma2 semaphore(%run_scoped3A_254 : memref<!tpu.dma_semaphore, #tpu.memory_space<semaphore_mem>>) src(%dma_wait3A_286 : memref<128x64xf32, #tpu.memory_space<vmem>>) dst(%dma_wait3A_282 : memref<128x64xf32, #tpu.memory_space<hbm>>)
        tpu.yield
      }) : () -> ()
      %run_scoped3A_248 = arith.constant 2 : i32
      %run_scoped3A_249 = arith.constant 3 : i32
      "tpu.region"() ({
        %run_scoped3A_254 = tpu.sem_alloc : memref<!tpu.dma_semaphore, #tpu.memory_space<semaphore_mem>>
        %dma_start3A_255 = arith.constant 0 : i32
        %dma_start3A_256 = arith.constant 0 : i32
        %dma_start3A_257 = tpu.memref_slice %arg6[%run_scoped3A_248, %dma_start3A_255, %dma_start3A_256] : memref<4x128x128xf32, #tpu.memory_space<vmem>> -> memref<1x128x64xf32, #tpu.memory_space<vmem>>
        %dma_start3A_258 = tpu.memref_squeeze %dma_start3A_257 : memref<1x128x64xf32, #tpu.memory_space<vmem>> -> memref<128x64xf32, #tpu.memory_space<vmem>>
        %dma_start3A_259 = arith.constant 0 : i32
        %dma_start3A_260 = arith.constant 64 : i32
        %dma_start3A_261 = tpu.memref_slice %arg4[%run_scoped3A_249, %add3A, %scan3A_45, %dma_start3A_259, %dma_start3A_260] : memref<5x32x4x128x128xf32, #tpu.memory_space<hbm>> -> memref<1x1x1x128x64xf32, #tpu.memory_space<hbm>>
        %dma_start3A_262 = tpu.memref_squeeze %dma_start3A_261 : memref<1x1x1x128x64xf32, #tpu.memory_space<hbm>> -> memref<128x64xf32, #tpu.memory_space<hbm>>
        %dma_start3A_263 = arith.constant 0 : i32
        %dma_start3A_264 = arith.constant 64 : i32
        %dma_start3A_265 = tpu.memref_slice %arg4[%run_scoped3A_249, %add3A, %scan3A_45, %dma_start3A_263, %dma_start3A_264] : memref<5x32x4x128x128xf32, #tpu.memory_space<hbm>> -> memref<1x1x1x128x64xf32, #tpu.memory_space<hbm>>
        %dma_start3A_266 = tpu.memref_squeeze %dma_start3A_265 : memref<1x1x1x128x64xf32, #tpu.memory_space<hbm>> -> memref<128x64xf32, #tpu.memory_space<hbm>>
        %dma_start3A_267 = arith.constant 0 : i32
        %dma_start3A_268 = arith.constant 0 : i32
        %dma_start3A_269 = tpu.memref_slice %arg6[%run_scoped3A_248, %dma_start3A_267, %dma_start3A_268] : memref<4x128x128xf32, #tpu.memory_space<vmem>> -> memref<1x128x64xf32, #tpu.memory_space<vmem>>
        %dma_start3A_270 = tpu.memref_squeeze %dma_start3A_269 : memref<1x128x64xf32, #tpu.memory_space<vmem>> -> memref<128x64xf32, #tpu.memory_space<vmem>>
        tpu.enqueue_dma source(%dma_start3A_270 : memref<128x64xf32, #tpu.memory_space<vmem>>) target(%dma_start3A_266 : memref<128x64xf32, #tpu.memory_space<hbm>>) target_semaphore(%run_scoped3A_254 : memref<!tpu.dma_semaphore, #tpu.memory_space<semaphore_mem>>)
        %dma_wait3A_271 = arith.constant 0 : i32
        %dma_wait3A_272 = arith.constant 0 : i32
        %dma_wait3A_273 = tpu.memref_slice %arg6[%run_scoped3A_248, %dma_wait3A_271, %dma_wait3A_272] : memref<4x128x128xf32, #tpu.memory_space<vmem>> -> memref<1x128x64xf32, #tpu.memory_space<vmem>>
        %dma_wait3A_274 = tpu.memref_squeeze %dma_wait3A_273 : memref<1x128x64xf32, #tpu.memory_space<vmem>> -> memref<128x64xf32, #tpu.memory_space<vmem>>
        %dma_wait3A_275 = arith.constant 0 : i32
        %dma_wait3A_276 = arith.constant 64 : i32
        %dma_wait3A_277 = tpu.memref_slice %arg4[%run_scoped3A_249, %add3A, %scan3A_45, %dma_wait3A_275, %dma_wait3A_276] : memref<5x32x4x128x128xf32, #tpu.memory_space<hbm>> -> memref<1x1x1x128x64xf32, #tpu.memory_space<hbm>>
        %dma_wait3A_278 = tpu.memref_squeeze %dma_wait3A_277 : memref<1x1x1x128x64xf32, #tpu.memory_space<hbm>> -> memref<128x64xf32, #tpu.memory_space<hbm>>
        %dma_wait3A_279 = arith.constant 0 : i32
        %dma_wait3A_280 = arith.constant 64 : i32
        %dma_wait3A_281 = tpu.memref_slice %arg4[%run_scoped3A_249, %add3A, %scan3A_45, %dma_wait3A_279, %dma_wait3A_280] : memref<5x32x4x128x128xf32, #tpu.memory_space<hbm>> -> memref<1x1x1x128x64xf32, #tpu.memory_space<hbm>>
        %dma_wait3A_282 = tpu.memref_squeeze %dma_wait3A_281 : memref<1x1x1x128x64xf32, #tpu.memory_space<hbm>> -> memref<128x64xf32, #tpu.memory_space<hbm>>
        %dma_wait3A_283 = arith.constant 0 : i32
        %dma_wait3A_284 = arith.constant 0 : i32
        %dma_wait3A_285 = tpu.memref_slice %arg6[%run_scoped3A_248, %dma_wait3A_283, %dma_wait3A_284] : memref<4x128x128xf32, #tpu.memory_space<vmem>> -> memref<1x128x64xf32, #tpu.memory_space<vmem>>
        %dma_wait3A_286 = tpu.memref_squeeze %dma_wait3A_285 : memref<1x128x64xf32, #tpu.memory_space<vmem>> -> memref<128x64xf32, #tpu.memory_space<vmem>>
        tpu.wait_dma2 semaphore(%run_scoped3A_254 : memref<!tpu.dma_semaphore, #tpu.memory_space<semaphore_mem>>) src(%dma_wait3A_286 : memref<128x64xf32, #tpu.memory_space<vmem>>) dst(%dma_wait3A_282 : memref<128x64xf32, #tpu.memory_space<hbm>>)
        tpu.yield
      }) : () -> ()
      %run_scoped3A_250 = arith.constant 3 : i32
      %run_scoped3A_251 = arith.constant 4 : i32
      "tpu.region"() ({
        %run_scoped3A_254 = tpu.sem_alloc : memref<!tpu.dma_semaphore, #tpu.memory_space<semaphore_mem>>
        %dma_start3A_255 = arith.constant 0 : i32
        %dma_start3A_256 = arith.constant 0 : i32
        %dma_start3A_257 = tpu.memref_slice %arg6[%run_scoped3A_250, %dma_start3A_255, %dma_start3A_256] : memref<4x128x128xf32, #tpu.memory_space<vmem>> -> memref<1x128x64xf32, #tpu.memory_space<vmem>>
        %dma_start3A_258 = tpu.memref_squeeze %dma_start3A_257 : memref<1x128x64xf32, #tpu.memory_space<vmem>> -> memref<128x64xf32, #tpu.memory_space<vmem>>
        %dma_start3A_259 = arith.constant 0 : i32
        %dma_start3A_260 = arith.constant 0 : i32
        %dma_start3A_261 = tpu.memref_slice %arg4[%run_scoped3A_251, %add3A, %scan3A_45, %dma_start3A_259, %dma_start3A_260] : memref<5x32x4x128x128xf32, #tpu.memory_space<hbm>> -> memref<1x1x1x128x64xf32, #tpu.memory_space<hbm>>
        %dma_start3A_262 = tpu.memref_squeeze %dma_start3A_261 : memref<1x1x1x128x64xf32, #tpu.memory_space<hbm>> -> memref<128x64xf32, #tpu.memory_space<hbm>>
        %dma_start3A_263 = arith.constant 0 : i32
        %dma_start3A_264 = arith.constant 0 : i32
        %dma_start3A_265 = tpu.memref_slice %arg4[%run_scoped3A_251, %add3A, %scan3A_45, %dma_start3A_263, %dma_start3A_264] : memref<5x32x4x128x128xf32, #tpu.memory_space<hbm>> -> memref<1x1x1x128x64xf32, #tpu.memory_space<hbm>>
        %dma_start3A_266 = tpu.memref_squeeze %dma_start3A_265 : memref<1x1x1x128x64xf32, #tpu.memory_space<hbm>> -> memref<128x64xf32, #tpu.memory_space<hbm>>
        %dma_start3A_267 = arith.constant 0 : i32
        %dma_start3A_268 = arith.constant 0 : i32
        %dma_start3A_269 = tpu.memref_slice %arg6[%run_scoped3A_250, %dma_start3A_267, %dma_start3A_268] : memref<4x128x128xf32, #tpu.memory_space<vmem>> -> memref<1x128x64xf32, #tpu.memory_space<vmem>>
        %dma_start3A_270 = tpu.memref_squeeze %dma_start3A_269 : memref<1x128x64xf32, #tpu.memory_space<vmem>> -> memref<128x64xf32, #tpu.memory_space<vmem>>
        tpu.enqueue_dma source(%dma_start3A_270 : memref<128x64xf32, #tpu.memory_space<vmem>>) target(%dma_start3A_266 : memref<128x64xf32, #tpu.memory_space<hbm>>) target_semaphore(%run_scoped3A_254 : memref<!tpu.dma_semaphore, #tpu.memory_space<semaphore_mem>>)
        %dma_wait3A_271 = arith.constant 0 : i32
        %dma_wait3A_272 = arith.constant 0 : i32
        %dma_wait3A_273 = tpu.memref_slice %arg6[%run_scoped3A_250, %dma_wait3A_271, %dma_wait3A_272] : memref<4x128x128xf32, #tpu.memory_space<vmem>> -> memref<1x128x64xf32, #tpu.memory_space<vmem>>
        %dma_wait3A_274 = tpu.memref_squeeze %dma_wait3A_273 : memref<1x128x64xf32, #tpu.memory_space<vmem>> -> memref<128x64xf32, #tpu.memory_space<vmem>>
        %dma_wait3A_275 = arith.constant 0 : i32
        %dma_wait3A_276 = arith.constant 0 : i32
        %dma_wait3A_277 = tpu.memref_slice %arg4[%run_scoped3A_251, %add3A, %scan3A_45, %dma_wait3A_275, %dma_wait3A_276] : memref<5x32x4x128x128xf32, #tpu.memory_space<hbm>> -> memref<1x1x1x128x64xf32, #tpu.memory_space<hbm>>
        %dma_wait3A_278 = tpu.memref_squeeze %dma_wait3A_277 : memref<1x1x1x128x64xf32, #tpu.memory_space<hbm>> -> memref<128x64xf32, #tpu.memory_space<hbm>>
        %dma_wait3A_279 = arith.constant 0 : i32
        %dma_wait3A_280 = arith.constant 0 : i32
        %dma_wait3A_281 = tpu.memref_slice %arg4[%run_scoped3A_251, %add3A, %scan3A_45, %dma_wait3A_279, %dma_wait3A_280] : memref<5x32x4x128x128xf32, #tpu.memory_space<hbm>> -> memref<1x1x1x128x64xf32, #tpu.memory_space<hbm>>
        %dma_wait3A_282 = tpu.memref_squeeze %dma_wait3A_281 : memref<1x1x1x128x64xf32, #tpu.memory_space<hbm>> -> memref<128x64xf32, #tpu.memory_space<hbm>>
        %dma_wait3A_283 = arith.constant 0 : i32
        %dma_wait3A_284 = arith.constant 0 : i32
        %dma_wait3A_285 = tpu.memref_slice %arg6[%run_scoped3A_250, %dma_wait3A_283, %dma_wait3A_284] : memref<4x128x128xf32, #tpu.memory_space<vmem>> -> memref<1x128x64xf32, #tpu.memory_space<vmem>>
        %dma_wait3A_286 = tpu.memref_squeeze %dma_wait3A_285 : memref<1x128x64xf32, #tpu.memory_space<vmem>> -> memref<128x64xf32, #tpu.memory_space<vmem>>
        tpu.wait_dma2 semaphore(%run_scoped3A_254 : memref<!tpu.dma_semaphore, #tpu.memory_space<semaphore_mem>>) src(%dma_wait3A_286 : memref<128x64xf32, #tpu.memory_space<vmem>>) dst(%dma_wait3A_282 : memref<128x64xf32, #tpu.memory_space<hbm>>)
        tpu.yield
      }) : () -> ()
      %run_scoped3A_252 = arith.constant 3 : i32
      %run_scoped3A_253 = arith.constant 4 : i32
      "tpu.region"() ({
        %run_scoped3A_254 = tpu.sem_alloc : memref<!tpu.dma_semaphore, #tpu.memory_space<semaphore_mem>>
        %dma_start3A_255 = arith.constant 0 : i32
        %dma_start3A_256 = arith.constant 0 : i32
        %dma_start3A_257 = tpu.memref_slice %arg6[%run_scoped3A_252, %dma_start3A_255, %dma_start3A_256] : memref<4x128x128xf32, #tpu.memory_space<vmem>> -> memref<1x128x64xf32, #tpu.memory_space<vmem>>
        %dma_start3A_258 = tpu.memref_squeeze %dma_start3A_257 : memref<1x128x64xf32, #tpu.memory_space<vmem>> -> memref<128x64xf32, #tpu.memory_space<vmem>>
        %dma_start3A_259 = arith.constant 0 : i32
        %dma_start3A_260 = arith.constant 64 : i32
        %dma_start3A_261 = tpu.memref_slice %arg4[%run_scoped3A_253, %add3A, %scan3A_45, %dma_start3A_259, %dma_start3A_260] : memref<5x32x4x128x128xf32, #tpu.memory_space<hbm>> -> memref<1x1x1x128x64xf32, #tpu.memory_space<hbm>>
        %dma_start3A_262 = tpu.memref_squeeze %dma_start3A_261 : memref<1x1x1x128x64xf32, #tpu.memory_space<hbm>> -> memref<128x64xf32, #tpu.memory_space<hbm>>
        %dma_start3A_263 = arith.constant 0 : i32
        %dma_start3A_264 = arith.constant 64 : i32
        %dma_start3A_265 = tpu.memref_slice %arg4[%run_scoped3A_253, %add3A, %scan3A_45, %dma_start3A_263, %dma_start3A_264] : memref<5x32x4x128x128xf32, #tpu.memory_space<hbm>> -> memref<1x1x1x128x64xf32, #tpu.memory_space<hbm>>
        %dma_start3A_266 = tpu.memref_squeeze %dma_start3A_265 : memref<1x1x1x128x64xf32, #tpu.memory_space<hbm>> -> memref<128x64xf32, #tpu.memory_space<hbm>>
        %dma_start3A_267 = arith.constant 0 : i32
        %dma_start3A_268 = arith.constant 0 : i32
        %dma_start3A_269 = tpu.memref_slice %arg6[%run_scoped3A_252, %dma_start3A_267, %dma_start3A_268] : memref<4x128x128xf32, #tpu.memory_space<vmem>> -> memref<1x128x64xf32, #tpu.memory_space<vmem>>
        %dma_start3A_270 = tpu.memref_squeeze %dma_start3A_269 : memref<1x128x64xf32, #tpu.memory_space<vmem>> -> memref<128x64xf32, #tpu.memory_space<vmem>>
        tpu.enqueue_dma source(%dma_start3A_270 : memref<128x64xf32, #tpu.memory_space<vmem>>) target(%dma_start3A_266 : memref<128x64xf32, #tpu.memory_space<hbm>>) target_semaphore(%run_scoped3A_254 : memref<!tpu.dma_semaphore, #tpu.memory_space<semaphore_mem>>)
        %dma_wait3A_271 = arith.constant 0 : i32
        %dma_wait3A_272 = arith.constant 0 : i32
        %dma_wait3A_273 = tpu.memref_slice %arg6[%run_scoped3A_252, %dma_wait3A_271, %dma_wait3A_272] : memref<4x128x128xf32, #tpu.memory_space<vmem>> -> memref<1x128x64xf32, #tpu.memory_space<vmem>>
        %dma_wait3A_274 = tpu.memref_squeeze %dma_wait3A_273 : memref<1x128x64xf32, #tpu.memory_space<vmem>> -> memref<128x64xf32, #tpu.memory_space<vmem>>
        %dma_wait3A_275 = arith.constant 0 : i32
        %dma_wait3A_276 = arith.constant 64 : i32
        %dma_wait3A_277 = tpu.memref_slice %arg4[%run_scoped3A_253, %add3A, %scan3A_45, %dma_wait3A_275, %dma_wait3A_276] : memref<5x32x4x128x128xf32, #tpu.memory_space<hbm>> -> memref<1x1x1x128x64xf32, #tpu.memory_space<hbm>>
        %dma_wait3A_278 = tpu.memref_squeeze %dma_wait3A_277 : memref<1x1x1x128x64xf32, #tpu.memory_space<hbm>> -> memref<128x64xf32, #tpu.memory_space<hbm>>
        %dma_wait3A_279 = arith.constant 0 : i32
        %dma_wait3A_280 = arith.constant 64 : i32
        %dma_wait3A_281 = tpu.memref_slice %arg4[%run_scoped3A_253, %add3A, %scan3A_45, %dma_wait3A_279, %dma_wait3A_280] : memref<5x32x4x128x128xf32, #tpu.memory_space<hbm>> -> memref<1x1x1x128x64xf32, #tpu.memory_space<hbm>>
        %dma_wait3A_282 = tpu.memref_squeeze %dma_wait3A_281 : memref<1x1x1x128x64xf32, #tpu.memory_space<hbm>> -> memref<128x64xf32, #tpu.memory_space<hbm>>
        %dma_wait3A_283 = arith.constant 0 : i32
        %dma_wait3A_284 = arith.constant 0 : i32
        %dma_wait3A_285 = tpu.memref_slice %arg6[%run_scoped3A_252, %dma_wait3A_283, %dma_wait3A_284] : memref<4x128x128xf32, #tpu.memory_space<vmem>> -> memref<1x128x64xf32, #tpu.memory_space<vmem>>
        %dma_wait3A_286 = tpu.memref_squeeze %dma_wait3A_285 : memref<1x128x64xf32, #tpu.memory_space<vmem>> -> memref<128x64xf32, #tpu.memory_space<vmem>>
        tpu.wait_dma2 semaphore(%run_scoped3A_254 : memref<!tpu.dma_semaphore, #tpu.memory_space<semaphore_mem>>) src(%dma_wait3A_286 : memref<128x64xf32, #tpu.memory_space<vmem>>) dst(%dma_wait3A_282 : memref<128x64xf32, #tpu.memory_space<hbm>>)
        tpu.yield
      }) : () -> ()
    }
    %scan3A_44 = arith.constant 4 : i32
    return
  }
}

#map = affine_map<(d0, d1) -> (0, 0)>
#map1 = affine_map<(d0, d1) -> (0, 0, 0, 0)>
module attributes {stable_mosaic.version = 14 : i64} {
  func.func @body(%arg0: i32, %arg1: i32, %arg2: memref<128x128xi32, #tpu.memory_space<hbm>>, %arg3: memref<100000x128xf32, #tpu.memory_space<hbm>>, %arg4: memref<32x4x128x128xf32, #tpu.memory_space<hbm>>, %arg5: memref<4x128xi32, #tpu.memory_space<vmem>>, %arg6: memref<128x128xf32, #tpu.memory_space<vmem>>, %arg7: memref<!tpu.dma_semaphore, #tpu.memory_space<semaphore_mem>>) attributes {dimension_semantics = [#tpu.dimension_semantics<core_parallel>, #tpu.dimension_semantics<subcore_parallel>], iteration_bounds = array<i64: 2, 16>, scalar_prefetch = 0 : i64, scratch_operands = 3 : i64, tpu.core_type = #tpu.core_type<sc_vector_subcore>, window_params = [{transform_indices = #map}, {transform_indices = #map}, {transform_indices = #map1}]} {
    %mul3A = arith.constant 2 : i32
    %mul3A_0 = arith.muli %arg1, %mul3A : i32
    %add3A = arith.addi %mul3A_0, %arg0 : i32
    %mul3A_1 = arith.constant 4 : i32
    %mul3A_2 = arith.muli %add3A, %mul3A_1 : i32
    "tpu.region"() ({
      %run_scoped3A = tpu.sem_alloc : memref<!tpu.dma_semaphore, #tpu.memory_space<semaphore_mem>>
      %dma_start3A = arith.constant 0 : i32
      %dma_start3A_8 = tpu.memref_slice %arg2[%mul3A_2, %dma_start3A] : memref<128x128xi32, #tpu.memory_space<hbm>> -> memref<4x128xi32, #tpu.memory_space<hbm>>
      %dma_start3A_9 = arith.constant 0 : i32
      %dma_start3A_10 = tpu.memref_slice %arg2[%mul3A_2, %dma_start3A_9] : memref<128x128xi32, #tpu.memory_space<hbm>> -> memref<4x128xi32, #tpu.memory_space<hbm>>
      tpu.enqueue_dma source(%dma_start3A_10 : memref<4x128xi32, #tpu.memory_space<hbm>>) target(%arg5 : memref<4x128xi32, #tpu.memory_space<vmem>>) target_semaphore(%run_scoped3A : memref<!tpu.dma_semaphore, #tpu.memory_space<semaphore_mem>>)
      %dma_wait3A = arith.constant 0 : i32
      %dma_wait3A_11 = tpu.memref_slice %arg2[%mul3A_2, %dma_wait3A] : memref<128x128xi32, #tpu.memory_space<hbm>> -> memref<4x128xi32, #tpu.memory_space<hbm>>
      %dma_wait3A_12 = arith.constant 0 : i32
      %dma_wait3A_13 = tpu.memref_slice %arg2[%mul3A_2, %dma_wait3A_12] : memref<128x128xi32, #tpu.memory_space<hbm>> -> memref<4x128xi32, #tpu.memory_space<hbm>>
      tpu.wait_dma2 semaphore(%run_scoped3A : memref<!tpu.dma_semaphore, #tpu.memory_space<semaphore_mem>>) src(%dma_wait3A_13 : memref<4x128xi32, #tpu.memory_space<hbm>>) dst(%arg5 : memref<4x128xi32, #tpu.memory_space<vmem>>)
      tpu.yield
    }) : () -> ()
    %scan3A = arith.constant 0 : i32
    %scan3A_3 = arith.constant 0 : i32
    %scan3A_4 = arith.constant 4 : i32
    %scan3A_5 = arith.addi %scan3A_3, %scan3A_4 : i32
    %scan3A_6 = arith.constant 1 : i32
    scf.for %scan3A_8 = %scan3A_3 to %scan3A_5 step %scan3A_6  : i32 {
      %dma_start3A = arith.constant 0 : i32
      %dma_start3A_9 = tpu.memref_slice %arg5[%scan3A_8, %dma_start3A] : memref<4x128xi32, #tpu.memory_space<vmem>> -> memref<1x128xi32, #tpu.memory_space<vmem>>
      %dma_start3A_10 = tpu.memref_squeeze %dma_start3A_9 : memref<1x128xi32, #tpu.memory_space<vmem>> -> memref<128xi32, #tpu.memory_space<vmem>>
      %dma_start3A_11 = arith.constant 0 : i32
      %dma_start3A_12 = arith.constant 0 : i32
      %dma_start3A_13 = tpu.memref_slice %arg3[%dma_start3A_11, %dma_start3A_12] : memref<100000x128xf32, #tpu.memory_space<hbm>> -> memref<100000x128xf32, #tpu.memory_space<hbm>>
      tpu.enqueue_indirect_dma source(%dma_start3A_13 : memref<100000x128xf32, #tpu.memory_space<hbm>>) target(%arg6 : memref<128x128xf32, #tpu.memory_space<vmem>>) offsets(%dma_start3A_10 : memref<128xi32, #tpu.memory_space<vmem>>) semaphore(%arg7 : memref<!tpu.dma_semaphore, #tpu.memory_space<semaphore_mem>>)
      %dma_wait3A = arith.constant 0 : i32
      %dma_wait3A_14 = tpu.memref_slice %arg5[%scan3A_8, %dma_wait3A] : memref<4x128xi32, #tpu.memory_space<vmem>> -> memref<1x128xi32, #tpu.memory_space<vmem>>
      %dma_wait3A_15 = tpu.memref_squeeze %dma_wait3A_14 : memref<1x128xi32, #tpu.memory_space<vmem>> -> memref<128xi32, #tpu.memory_space<vmem>>
      %dma_wait3A_16 = arith.constant 0 : i32
      %dma_wait3A_17 = arith.constant 0 : i32
      %dma_wait3A_18 = tpu.memref_slice %arg3[%dma_wait3A_16, %dma_wait3A_17] : memref<100000x128xf32, #tpu.memory_space<hbm>> -> memref<100000x128xf32, #tpu.memory_space<hbm>>
      tpu.wait_indirect_dma semaphore(%arg7 : memref<!tpu.dma_semaphore, #tpu.memory_space<semaphore_mem>>) src(%dma_wait3A_18 : memref<100000x128xf32, #tpu.memory_space<hbm>>) dst(%arg6 : memref<128x128xf32, #tpu.memory_space<vmem>>)
      "tpu.region"() ({
        %run_scoped3A = tpu.sem_alloc : memref<!tpu.dma_semaphore, #tpu.memory_space<semaphore_mem>>
        %dma_start3A_19 = arith.constant 0 : i32
        %dma_start3A_20 = arith.constant 0 : i32
        %dma_start3A_21 = tpu.memref_slice %arg4[%add3A, %scan3A_8, %dma_start3A_19, %dma_start3A_20] : memref<32x4x128x128xf32, #tpu.memory_space<hbm>> -> memref<1x1x128x128xf32, #tpu.memory_space<hbm>>
        %dma_start3A_22 = tpu.memref_squeeze %dma_start3A_21 : memref<1x1x128x128xf32, #tpu.memory_space<hbm>> -> memref<128x128xf32, #tpu.memory_space<hbm>>
        %dma_start3A_23 = arith.constant 0 : i32
        %dma_start3A_24 = arith.constant 0 : i32
        %dma_start3A_25 = tpu.memref_slice %arg4[%add3A, %scan3A_8, %dma_start3A_23, %dma_start3A_24] : memref<32x4x128x128xf32, #tpu.memory_space<hbm>> -> memref<1x1x128x128xf32, #tpu.memory_space<hbm>>
        %dma_start3A_26 = tpu.memref_squeeze %dma_start3A_25 : memref<1x1x128x128xf32, #tpu.memory_space<hbm>> -> memref<128x128xf32, #tpu.memory_space<hbm>>
        tpu.enqueue_dma source(%arg6 : memref<128x128xf32, #tpu.memory_space<vmem>>) target(%dma_start3A_26 : memref<128x128xf32, #tpu.memory_space<hbm>>) target_semaphore(%run_scoped3A : memref<!tpu.dma_semaphore, #tpu.memory_space<semaphore_mem>>)
        %dma_wait3A_27 = arith.constant 0 : i32
        %dma_wait3A_28 = arith.constant 0 : i32
        %dma_wait3A_29 = tpu.memref_slice %arg4[%add3A, %scan3A_8, %dma_wait3A_27, %dma_wait3A_28] : memref<32x4x128x128xf32, #tpu.memory_space<hbm>> -> memref<1x1x128x128xf32, #tpu.memory_space<hbm>>
        %dma_wait3A_30 = tpu.memref_squeeze %dma_wait3A_29 : memref<1x1x128x128xf32, #tpu.memory_space<hbm>> -> memref<128x128xf32, #tpu.memory_space<hbm>>
        %dma_wait3A_31 = arith.constant 0 : i32
        %dma_wait3A_32 = arith.constant 0 : i32
        %dma_wait3A_33 = tpu.memref_slice %arg4[%add3A, %scan3A_8, %dma_wait3A_31, %dma_wait3A_32] : memref<32x4x128x128xf32, #tpu.memory_space<hbm>> -> memref<1x1x128x128xf32, #tpu.memory_space<hbm>>
        %dma_wait3A_34 = tpu.memref_squeeze %dma_wait3A_33 : memref<1x1x128x128xf32, #tpu.memory_space<hbm>> -> memref<128x128xf32, #tpu.memory_space<hbm>>
        tpu.wait_dma2 semaphore(%run_scoped3A : memref<!tpu.dma_semaphore, #tpu.memory_space<semaphore_mem>>) src(%arg6 : memref<128x128xf32, #tpu.memory_space<vmem>>) dst(%dma_wait3A_34 : memref<128x128xf32, #tpu.memory_space<hbm>>)
        tpu.yield
      }) : () -> ()
    }
    %scan3A_7 = arith.constant 4 : i32
    return
  }
}

module attributes {stable_mosaic.version = 14 : i64} {
  func.func @body(%arg0: i32, %arg1: memref<64x4096xf32, #tpu.memory_space<vmem>>, %arg2: memref<64x4096xf32, #tpu.memory_space<vmem>>, %arg3: memref<4096x128xf32, #tpu.memory_space<vmem>>) attributes {dimension_semantics = [#tpu.dimension_semantics<arbitrary>], iteration_bounds = array<i64: 25>, scalar_prefetch = 0 : i64, scratch_operands = 0 : i64, tpu.core_type = #tpu.core_type<tc>, window_params = [{transform_indices = @transform_0, window_bounds = array<i64: 64, 4096>}, {transform_indices = @transform_1, window_bounds = array<i64: 64, 4096>}, {transform_indices = @transform_2, window_bounds = array<i64: 4096, 128>}]} {
    %iota3A = tpu.iota {dimensions = array<i32: 0>} : vector<64x64xi32>
    %iota3A_0 = tpu.iota {dimensions = array<i32: 1>} : vector<64x64xi32>
    %add3A = arith.constant 0 : i32
    %add3A_1 = vector.broadcast %add3A : i32 to vector<64x64xi32>
    %add3A_2 = arith.addi %iota3A, %add3A_1 : vector<64x64xi32>
    %eq3A = arith.cmpi eq, %add3A_2, %iota3A_0 : vector<64x64xi32>
    %convert_element_type3A = arith.extui %eq3A : vector<64x64xi1> to vector<64x64xi32>
    %convert_element_type3A_3 = arith.sitofp %convert_element_type3A : vector<64x64xi32> to vector<64x64xf32>
    %get3A = arith.constant 0 : index
    %get3A_4 = arith.constant 0 : index
    %get3A_5 = vector.load %arg1[%get3A, %get3A_4] : memref<64x4096xf32, #tpu.memory_space<vmem>>, vector<64x4096xf32>
    %dot_general3A = arith.constant dense<0.000000e+00> : vector<4096x64xf32>
    %dot_general3A_6 = tpu.matmul %get3A_5, %convert_element_type3A_3, %dot_general3A {dimension_numbers = #tpu.dot_dimension_numbers<[0], [0], [1], [1], [0, 1, 1, 1], [], []>, transpose_lhs_hint = true} : vector<64x4096xf32>, vector<64x64xf32>, vector<4096x64xf32> -> vector<4096x64xf32>
    %get3A_7 = arith.constant 0 : index
    %get3A_8 = arith.constant 0 : index
    %get3A_9 = vector.load %arg2[%get3A_7, %get3A_8] : memref<64x4096xf32, #tpu.memory_space<vmem>>, vector<64x4096xf32>
    %dot_general3A_10 = arith.constant dense<0.000000e+00> : vector<4096x64xf32>
    %dot_general3A_11 = tpu.matmul %get3A_9, %convert_element_type3A_3, %dot_general3A_10 {dimension_numbers = #tpu.dot_dimension_numbers<[0], [0], [1], [1], [0, 1, 1, 1], [], []>, transpose_lhs_hint = true} : vector<64x4096xf32>, vector<64x64xf32>, vector<4096x64xf32> -> vector<4096x64xf32>
    %concatenate3A = tpu.concatenate %dot_general3A_6, %dot_general3A_11 in 1 : vector<4096x64xf32>, vector<4096x64xf32> -> vector<4096x128xf32>
    %swap3A = arith.constant 0 : index
    %swap3A_12 = arith.constant 0 : index
    %swap3A_13 = vector.load %arg3[%swap3A, %swap3A_12] : memref<4096x128xf32, #tpu.memory_space<vmem>>, vector<4096x128xf32>
    tpu.vector_store %arg3[%swap3A, %swap3A_12], %concatenate3A {strides = array<i32>} : memref<4096x128xf32, #tpu.memory_space<vmem>>, vector<4096x128xf32>,
    return
  }
  func.func @transform_0(%arg0: i32) -> (i32, i32) {
    %c0_i32 = arith.constant 0 : i32
    %c0_i32_0 = arith.constant 0 : i32
    return %c0_i32, %arg0 : i32, i32
  }
  func.func @transform_1(%arg0: i32) -> (i32, i32) {
    %c0_i32 = arith.constant 0 : i32
    %c0_i32_0 = arith.constant 0 : i32
    return %c0_i32, %arg0 : i32, i32
  }
  func.func @transform_2(%arg0: i32) -> (i32, i32) {
    %c0_i32 = arith.constant 0 : i32
    %c0_i32_0 = arith.constant 0 : i32
    return %arg0, %c0_i32 : i32, i32
  }
}

module attributes {stable_mosaic.version = 14 : i64} {
  func.func @_mlp_body(%arg0: i32, %arg1: memref<5x1024x128xf32, #tpu.memory_space<vmem>>, %arg2: memref<1024x128xf32, #tpu.memory_space<vmem>>, %arg3: memref<6x128x256xf32, #tpu.memory_space<vmem>>, %arg4: memref<1x256xf32, #tpu.memory_space<vmem>>, %arg5: memref<256x128xf32, #tpu.memory_space<vmem>>, %arg6: memref<1x128xf32, #tpu.memory_space<vmem>>, %arg7: memref<128x64xf32, #tpu.memory_space<vmem>>, %arg8: memref<1x64xf32, #tpu.memory_space<vmem>>, %arg9: memref<1x128xf32, #tpu.memory_space<vmem>>, %arg10: memref<1xf32, #tpu.memory_space<smem>>, %arg11: memref<1024xf32, #tpu.memory_space<vmem>>) attributes {dimension_semantics = [#tpu.dimension_semantics<arbitrary>], iteration_bounds = array<i64: 16>, scalar_prefetch = 0 : i64, scratch_operands = 0 : i64, tpu.core_type = #tpu.core_type<tc>, window_params = [{transform_indices = @transform_0, window_bounds = array<i64: 5, 1024, 128>}, {transform_indices = @transform_1, window_bounds = array<i64: 1024, 128>}, {pipeline_mode = #tpu.pipeline_mode<synchronous>, transform_indices = @transform_2, window_bounds = array<i64: 6, 128, 256>}, {pipeline_mode = #tpu.pipeline_mode<synchronous>, transform_indices = @transform_3, window_bounds = array<i64: 1, 256>}, {pipeline_mode = #tpu.pipeline_mode<synchronous>, transform_indices = @transform_4, window_bounds = array<i64: 256, 128>}, {pipeline_mode = #tpu.pipeline_mode<synchronous>, transform_indices = @transform_5, window_bounds = array<i64: 1, 128>}, {pipeline_mode = #tpu.pipeline_mode<synchronous>, transform_indices = @transform_6, window_bounds = array<i64: 128, 64>}, {pipeline_mode = #tpu.pipeline_mode<synchronous>, transform_indices = @transform_7, window_bounds = array<i64: 1, 64>}, {pipeline_mode = #tpu.pipeline_mode<synchronous>, transform_indices = @transform_8, window_bounds = array<i64: 1, 128>}, {transform_indices = @transform_9, window_bounds = array<i64: 1>}, {transform_indices = @transform_10, window_bounds = array<i64: 1024>}]} {
    %get3A = arith.constant 0 : index
    %get3A_0 = arith.constant 0 : index
    %get3A_1 = vector.load %arg2[%get3A, %get3A_0] : memref<1024x128xf32, #tpu.memory_space<vmem>>, vector<1024x128xf32>
    %get3A_2 = arith.constant 1 : index
    %get3A_3 = arith.constant 0 : index
    %get3A_4 = arith.constant 0 : index
    %get3A_5 = vector.load %arg3[%get3A_2, %get3A_3, %get3A_4] : memref<6x128x256xf32, #tpu.memory_space<vmem>>, vector<1x128x256xf32>
    %get3A_6 = vector.shape_cast %get3A_5 : vector<1x128x256xf32> to vector<128x256xf32>
    %dot_general3A = arith.constant dense<0.000000e+00> : vector<1024x256xf32>
    %dot_general3A_7 = tpu.matmul %get3A_1, %get3A_6, %dot_general3A {dimension_numbers = #tpu.dot_dimension_numbers<[1], [0], [0], [1], [0, 0, 1, 1], [], []>, transpose_lhs_hint = false} : vector<1024x128xf32>, vector<128x256xf32>, vector<1024x256xf32> -> vector<1024x256xf32>
    %get3A_8 = arith.constant 0 : index
    %get3A_9 = arith.constant 0 : index
    %get3A_10 = arith.constant 0 : index
    %get3A_11 = vector.load %arg1[%get3A_8, %get3A_9, %get3A_10] : memref<5x1024x128xf32, #tpu.memory_space<vmem>>, vector<1x1024x128xf32>
    %get3A_12 = vector.shape_cast %get3A_11 : vector<1x1024x128xf32> to vector<1024x128xf32>
    %get3A_13 = arith.constant 0 : index
    %get3A_14 = arith.constant 0 : index
    %get3A_15 = arith.constant 0 : index
    %get3A_16 = vector.load %arg3[%get3A_13, %get3A_14, %get3A_15] : memref<6x128x256xf32, #tpu.memory_space<vmem>>, vector<1x128x256xf32>
    %get3A_17 = vector.shape_cast %get3A_16 : vector<1x128x256xf32> to vector<128x256xf32>
    %dot_general3A_18 = arith.constant dense<0.000000e+00> : vector<1024x256xf32>
    %dot_general3A_19 = tpu.matmul %get3A_12, %get3A_17, %dot_general3A_18 {dimension_numbers = #tpu.dot_dimension_numbers<[1], [0], [0], [1], [0, 0, 1, 1], [], []>, transpose_lhs_hint = false} : vector<1024x128xf32>, vector<128x256xf32>, vector<1024x256xf32> -> vector<1024x256xf32>
    %add3A = arith.addf %dot_general3A_7, %dot_general3A_19 : vector<1024x256xf32>
    %get3A_20 = arith.constant 1 : index
    %get3A_21 = arith.constant 0 : index
    %get3A_22 = arith.constant 0 : index
    %get3A_23 = vector.load %arg1[%get3A_20, %get3A_21, %get3A_22] : memref<5x1024x128xf32, #tpu.memory_space<vmem>>, vector<1x1024x128xf32>
    %get3A_24 = vector.shape_cast %get3A_23 : vector<1x1024x128xf32> to vector<1024x128xf32>
    %get3A_25 = arith.constant 2 : index
    %get3A_26 = arith.constant 0 : index
    %get3A_27 = arith.constant 0 : index
    %get3A_28 = vector.load %arg3[%get3A_25, %get3A_26, %get3A_27] : memref<6x128x256xf32, #tpu.memory_space<vmem>>, vector<1x128x256xf32>
    %get3A_29 = vector.shape_cast %get3A_28 : vector<1x128x256xf32> to vector<128x256xf32>
    %dot_general3A_30 = arith.constant dense<0.000000e+00> : vector<1024x256xf32>
    %dot_general3A_31 = tpu.matmul %get3A_24, %get3A_29, %dot_general3A_30 {dimension_numbers = #tpu.dot_dimension_numbers<[1], [0], [0], [1], [0, 0, 1, 1], [], []>, transpose_lhs_hint = false} : vector<1024x128xf32>, vector<128x256xf32>, vector<1024x256xf32> -> vector<1024x256xf32>
    %add3A_32 = arith.addf %add3A, %dot_general3A_31 : vector<1024x256xf32>
    %get3A_33 = arith.constant 2 : index
    %get3A_34 = arith.constant 0 : index
    %get3A_35 = arith.constant 0 : index
    %get3A_36 = vector.load %arg1[%get3A_33, %get3A_34, %get3A_35] : memref<5x1024x128xf32, #tpu.memory_space<vmem>>, vector<1x1024x128xf32>
    %get3A_37 = vector.shape_cast %get3A_36 : vector<1x1024x128xf32> to vector<1024x128xf32>
    %get3A_38 = arith.constant 3 : index
    %get3A_39 = arith.constant 0 : index
    %get3A_40 = arith.constant 0 : index
    %get3A_41 = vector.load %arg3[%get3A_38, %get3A_39, %get3A_40] : memref<6x128x256xf32, #tpu.memory_space<vmem>>, vector<1x128x256xf32>
    %get3A_42 = vector.shape_cast %get3A_41 : vector<1x128x256xf32> to vector<128x256xf32>
    %dot_general3A_43 = arith.constant dense<0.000000e+00> : vector<1024x256xf32>
    %dot_general3A_44 = tpu.matmul %get3A_37, %get3A_42, %dot_general3A_43 {dimension_numbers = #tpu.dot_dimension_numbers<[1], [0], [0], [1], [0, 0, 1, 1], [], []>, transpose_lhs_hint = false} : vector<1024x128xf32>, vector<128x256xf32>, vector<1024x256xf32> -> vector<1024x256xf32>
    %add3A_45 = arith.addf %add3A_32, %dot_general3A_44 : vector<1024x256xf32>
    %get3A_46 = arith.constant 3 : index
    %get3A_47 = arith.constant 0 : index
    %get3A_48 = arith.constant 0 : index
    %get3A_49 = vector.load %arg1[%get3A_46, %get3A_47, %get3A_48] : memref<5x1024x128xf32, #tpu.memory_space<vmem>>, vector<1x1024x128xf32>
    %get3A_50 = vector.shape_cast %get3A_49 : vector<1x1024x128xf32> to vector<1024x128xf32>
    %get3A_51 = arith.constant 4 : index
    %get3A_52 = arith.constant 0 : index
    %get3A_53 = arith.constant 0 : index
    %get3A_54 = vector.load %arg3[%get3A_51, %get3A_52, %get3A_53] : memref<6x128x256xf32, #tpu.memory_space<vmem>>, vector<1x128x256xf32>
    %get3A_55 = vector.shape_cast %get3A_54 : vector<1x128x256xf32> to vector<128x256xf32>
    %dot_general3A_56 = arith.constant dense<0.000000e+00> : vector<1024x256xf32>
    %dot_general3A_57 = tpu.matmul %get3A_50, %get3A_55, %dot_general3A_56 {dimension_numbers = #tpu.dot_dimension_numbers<[1], [0], [0], [1], [0, 0, 1, 1], [], []>, transpose_lhs_hint = false} : vector<1024x128xf32>, vector<128x256xf32>, vector<1024x256xf32> -> vector<1024x256xf32>
    %add3A_58 = arith.addf %add3A_45, %dot_general3A_57 : vector<1024x256xf32>
    %get3A_59 = arith.constant 4 : index
    %get3A_60 = arith.constant 0 : index
    %get3A_61 = arith.constant 0 : index
    %get3A_62 = vector.load %arg1[%get3A_59, %get3A_60, %get3A_61] : memref<5x1024x128xf32, #tpu.memory_space<vmem>>, vector<1x1024x128xf32>
    %get3A_63 = vector.shape_cast %get3A_62 : vector<1x1024x128xf32> to vector<1024x128xf32>
    %get3A_64 = arith.constant 5 : index
    %get3A_65 = arith.constant 0 : index
    %get3A_66 = arith.constant 0 : index
    %get3A_67 = vector.load %arg3[%get3A_64, %get3A_65, %get3A_66] : memref<6x128x256xf32, #tpu.memory_space<vmem>>, vector<1x128x256xf32>
    %get3A_68 = vector.shape_cast %get3A_67 : vector<1x128x256xf32> to vector<128x256xf32>
    %dot_general3A_69 = arith.constant dense<0.000000e+00> : vector<1024x256xf32>
    %dot_general3A_70 = tpu.matmul %get3A_63, %get3A_68, %dot_general3A_69 {dimension_numbers = #tpu.dot_dimension_numbers<[1], [0], [0], [1], [0, 0, 1, 1], [], []>, transpose_lhs_hint = false} : vector<1024x128xf32>, vector<128x256xf32>, vector<1024x256xf32> -> vector<1024x256xf32>
    %add3A_71 = arith.addf %add3A_58, %dot_general3A_70 : vector<1024x256xf32>
    %get3A_72 = arith.constant 0 : index
    %get3A_73 = arith.constant 0 : index
    %get3A_74 = vector.load %arg4[%get3A_72, %get3A_73] : memref<1x256xf32, #tpu.memory_space<vmem>>, vector<1x256xf32>
    %add3A_75 = vector.broadcast %get3A_74 : vector<1x256xf32> to vector<1024x256xf32>
    %add3A_76 = arith.addf %add3A_71, %add3A_75 : vector<1024x256xf32>
    %max3A = arith.constant 0.000000e+00 : f32
    %max3A_77 = vector.broadcast %max3A : f32 to vector<1024x256xf32>
    %max3A_78 = arith.maximumf %add3A_76, %max3A_77 : vector<1024x256xf32>
    %get3A_79 = arith.constant 0 : index
    %get3A_80 = arith.constant 0 : index
    %get3A_81 = vector.load %arg5[%get3A_79, %get3A_80] : memref<256x128xf32, #tpu.memory_space<vmem>>, vector<256x128xf32>
    %dot_general3A_82 = arith.constant dense<0.000000e+00> : vector<1024x128xf32>
    %dot_general3A_83 = tpu.matmul %max3A_78, %get3A_81, %dot_general3A_82 {dimension_numbers = #tpu.dot_dimension_numbers<[1], [0], [0], [1], [0, 0, 1, 1], [], []>, transpose_lhs_hint = false} : vector<1024x256xf32>, vector<256x128xf32>, vector<1024x128xf32> -> vector<1024x128xf32>
    %get3A_84 = arith.constant 0 : index
    %get3A_85 = arith.constant 0 : index
    %get3A_86 = vector.load %arg6[%get3A_84, %get3A_85] : memref<1x128xf32, #tpu.memory_space<vmem>>, vector<1x128xf32>
    %add3A_87 = vector.broadcast %get3A_86 : vector<1x128xf32> to vector<1024x128xf32>
    %add3A_88 = arith.addf %dot_general3A_83, %add3A_87 : vector<1024x128xf32>
    %max3A_89 = arith.constant 0.000000e+00 : f32
    %max3A_90 = vector.broadcast %max3A_89 : f32 to vector<1024x128xf32>
    %max3A_91 = arith.maximumf %add3A_88, %max3A_90 : vector<1024x128xf32>
    %get3A_92 = arith.constant 0 : index
    %get3A_93 = arith.constant 0 : index
    %get3A_94 = vector.load %arg7[%get3A_92, %get3A_93] : memref<128x64xf32, #tpu.memory_space<vmem>>, vector<128x64xf32>
    %dot_general3A_95 = arith.constant dense<0.000000e+00> : vector<1024x64xf32>
    %dot_general3A_96 = tpu.matmul %max3A_91, %get3A_94, %dot_general3A_95 {dimension_numbers = #tpu.dot_dimension_numbers<[1], [0], [0], [1], [0, 0, 1, 1], [], []>, transpose_lhs_hint = false} : vector<1024x128xf32>, vector<128x64xf32>, vector<1024x64xf32> -> vector<1024x64xf32>
    %get3A_97 = arith.constant 0 : index
    %get3A_98 = arith.constant 0 : index
    %get3A_99 = vector.load %arg8[%get3A_97, %get3A_98] : memref<1x64xf32, #tpu.memory_space<vmem>>, vector<1x64xf32>
    %add3A_100 = vector.broadcast %get3A_99 : vector<1x64xf32> to vector<1024x64xf32>
    %add3A_101 = arith.addf %dot_general3A_96, %add3A_100 : vector<1024x64xf32>
    %max3A_102 = arith.constant 0.000000e+00 : f32
    %max3A_103 = vector.broadcast %max3A_102 : f32 to vector<1024x64xf32>
    %max3A_104 = arith.maximumf %add3A_101, %max3A_103 : vector<1024x64xf32>
    %get3A_105 = arith.constant 0 : index
    %get3A_106 = arith.constant 0 : index
    %get3A_107 = arith.constant 0 : index
    %get3A_108 = vector.load %arg1[%get3A_105, %get3A_106, %get3A_107] : memref<5x1024x128xf32, #tpu.memory_space<vmem>>, vector<1x1024x128xf32>
    %get3A_109 = vector.shape_cast %get3A_108 : vector<1x1024x128xf32> to vector<1024x128xf32>
    %slice3A = vector.extract_strided_slice %get3A_109 {offsets = [0, 64], sizes = [1024, 64], strides = [1, 1]} : vector<1024x128xf32> to vector<1024x64xf32>
    %get3A_110 = arith.constant 0 : index
    %get3A_111 = arith.constant 0 : index
    %get3A_112 = vector.load %arg2[%get3A_110, %get3A_111] : memref<1024x128xf32, #tpu.memory_space<vmem>>, vector<1024x128xf32>
    %slice3A_113 = vector.extract_strided_slice %get3A_112 {offsets = [0, 64], sizes = [1024, 64], strides = [1, 1]} : vector<1024x128xf32> to vector<1024x64xf32>
    %mul3A = arith.mulf %slice3A, %slice3A_113 : vector<1024x64xf32>
    %get3A_114 = arith.constant 0 : index
    %get3A_115 = arith.constant 0 : index
    %get3A_116 = vector.load %arg9[%get3A_114, %get3A_115] : memref<1x128xf32, #tpu.memory_space<vmem>>, vector<1x128xf32>
    %slice3A_117 = vector.extract_strided_slice %get3A_116 {offsets = [0, 0], sizes = [1, 64], strides = [1, 1]} : vector<1x128xf32> to vector<1x64xf32>
    %mul3A_118 = vector.broadcast %slice3A_117 : vector<1x64xf32> to vector<1024x64xf32>
    %mul3A_119 = arith.mulf %mul3A, %mul3A_118 : vector<1024x64xf32>
    %reduce_sum3A = arith.constant dense<0.000000e+00> : vector<1024xf32>
    %reduce_sum3A_120 = vector.multi_reduction <add>, %mul3A_119, %reduce_sum3A [1] : vector<1024x64xf32> to vector<1024xf32>
    %slice3A_121 = vector.extract_strided_slice %get3A_116 {offsets = [0, 64], sizes = [1, 64], strides = [1, 1]} : vector<1x128xf32> to vector<1x64xf32>
    %mul3A_122 = vector.broadcast %slice3A_121 : vector<1x64xf32> to vector<1024x64xf32>
    %mul3A_123 = arith.mulf %max3A_104, %mul3A_122 : vector<1024x64xf32>
    %reduce_sum3A_124 = arith.constant dense<0.000000e+00> : vector<1024xf32>
    %reduce_sum3A_125 = vector.multi_reduction <add>, %mul3A_123, %reduce_sum3A_124 [1] : vector<1024x64xf32> to vector<1024xf32>
    %add3A_126 = arith.addf %reduce_sum3A_120, %reduce_sum3A_125 : vector<1024xf32>
    %get3A_127 = arith.constant 0 : index
    %get3A_128 = memref.load %arg10[%get3A_127] : memref<1xf32, #tpu.memory_space<smem>>
    %add3A_129 = vector.broadcast %get3A_128 : f32 to vector<1024xf32>
    %add3A_130 = arith.addf %add3A_126, %add3A_129 : vector<1024xf32>
    %swap3A = arith.constant 0 : index
    %swap3A_131 = vector.load %arg11[%swap3A] : memref<1024xf32, #tpu.memory_space<vmem>>, vector<1024xf32>
    tpu.vector_store %arg11[%swap3A], %add3A_130 {strides = array<i32>} : memref<1024xf32, #tpu.memory_space<vmem>>, vector<1024xf32>,
    return
  }
  func.func @transform_0(%arg0: i32) -> (i32, i32, i32) {
    %c0_i32 = arith.constant 0 : i32
    %c0_i32_0 = arith.constant 0 : i32
    %c0_i32_1 = arith.constant 0 : i32
    return %c0_i32, %arg0, %c0_i32_0 : i32, i32, i32
  }
  func.func @transform_1(%arg0: i32) -> (i32, i32) {
    %c0_i32 = arith.constant 0 : i32
    %c0_i32_0 = arith.constant 0 : i32
    return %arg0, %c0_i32 : i32, i32
  }
  func.func @transform_2(%arg0: i32) -> (i32, i32, i32) {
    %c0_i32 = arith.constant 0 : i32
    %c0_i32_0 = arith.constant 0 : i32
    %c0_i32_1 = arith.constant 0 : i32
    %c0_i32_2 = arith.constant 0 : i32
    return %c0_i32, %c0_i32_0, %c0_i32_1 : i32, i32, i32
  }
  func.func @transform_3(%arg0: i32) -> (i32, i32) {
    %c0_i32 = arith.constant 0 : i32
    %c0_i32_0 = arith.constant 0 : i32
    %c0_i32_1 = arith.constant 0 : i32
    return %c0_i32, %c0_i32_0 : i32, i32
  }
  func.func @transform_4(%arg0: i32) -> (i32, i32) {
    %c0_i32 = arith.constant 0 : i32
    %c0_i32_0 = arith.constant 0 : i32
    %c0_i32_1 = arith.constant 0 : i32
    return %c0_i32, %c0_i32_0 : i32, i32
  }
  func.func @transform_5(%arg0: i32) -> (i32, i32) {
    %c0_i32 = arith.constant 0 : i32
    %c0_i32_0 = arith.constant 0 : i32
    %c0_i32_1 = arith.constant 0 : i32
    return %c0_i32, %c0_i32_0 : i32, i32
  }
  func.func @transform_6(%arg0: i32) -> (i32, i32) {
    %c0_i32 = arith.constant 0 : i32
    %c0_i32_0 = arith.constant 0 : i32
    %c0_i32_1 = arith.constant 0 : i32
    return %c0_i32, %c0_i32_0 : i32, i32
  }
  func.func @transform_7(%arg0: i32) -> (i32, i32) {
    %c0_i32 = arith.constant 0 : i32
    %c0_i32_0 = arith.constant 0 : i32
    %c0_i32_1 = arith.constant 0 : i32
    return %c0_i32, %c0_i32_0 : i32, i32
  }
  func.func @transform_8(%arg0: i32) -> (i32, i32) {
    %c0_i32 = arith.constant 0 : i32
    %c0_i32_0 = arith.constant 0 : i32
    %c0_i32_1 = arith.constant 0 : i32
    return %c0_i32, %c0_i32_0 : i32, i32
  }
  func.func @transform_9(%arg0: i32) -> i32 {
    %c0_i32 = arith.constant 0 : i32
    %c0_i32_0 = arith.constant 0 : i32
    return %c0_i32 : i32
  }
  func.func @transform_10(%arg0: i32) -> i32 {
    %c0_i32 = arith.constant 0 : i32
    return %arg0 : i32
  }
}

</mosaic_0001>

<sc_bundles>
// kernel: kernel.10.cloned.1.call-start
scs
__scs_entry_jumppad:
0x0: {  	(pc) =	sbr.rel $0x88, $3  }
0x1: {  	(tag) =	ssettag $0x0;
	lr =	simm.s32 $0x1  }
0x2: {  	[smem:$0x3F92] =	sst lr;
	_ =	strace $0xD0000000  }
0x3: {  	_ = 	snop  }
0x4: {  	_ = 	snop  }
0x5: {  	_ = 	snop  }
0x6: {  	_ = 	snop  }
0x7: {  	_ = 	snop  }
__scs_overlays_trampoline_lowered:
0x8: {  	[smem:$0x3FA1] =	sst s0  }
0x9: {  	[smem:$0x3FA2] =	sst s1  }
0xa: {  	[smem:$0x3FA3] =	sst s2  }
0xb: {  	[smem:$0x3FA4] =	sst s3  }
0xc: {  	[smem:$0x3FA5] =	sst s4  }
0xd: {  	[smem:$0x3FA6] =	sst s5  }
0xe: {  	[smem:$0x3FA7] =	sst s6  }
0xf: {  	[smem:$0x3FA8] =	sst s7  }
0x10: {  	[smem:$0x3FA9] =	sst s8  }
0x11: {  	[smem:$0x3FAA] =	sst s9;
	s0 =	simm.s32 @!p0 $0x0  }
0x12: {  	s1 =	sld [smem:$0x3F90];
	s0 =	simm.s32 @p0 $0x1  }
0x13: {  	[smem:$0x3FAB] =	sst s0;
	s0 =	simm.s32 @!p1 $0x0  }
0x14: {  	s2 =	sld [smem:$0x3F8F];
	s0 =	simm.s32 @p1 $0x1  }
0x15: {  	[smem:$0x3FAC] =	sst s0;
	s0 =	simm.s32 @!p2 $0x0  }
0x16: {  	s3 =	sld [smem:$0x3FDB];
	s0 =	simm.s32 @p2 $0x1  }
0x17: {  	s4 =	simm.s32 $0x1BF5;
	[smem:$0x3FAE] =	sst s0  }
0x18: {  	s0 =	sld [smem:$0x3F91];
	_ =	swait.ge [sflag:s4], $0x0  }
0x19: {  	s7 =	sld [smem:$0x3F92]  }
0x1a: {  	s8 =	sadd.s32 $0xFFFFE003, lr  }
0x1b: {  	s9 =	sadd.s32 $0xFFFFFEF7, lr;
	s5 =	simm.s32 $0xFFFFFFFF;
	p2 =	slt.u32 s8, $0xFFFFF086  }
0x1c: {  	p1 =	slt.u32 s9, $0xF7A;
	s5 =	simm.s32 @!p2 $0x0  }
0x1d: {  	s5 =	simm.s32 @p1 $0x1;
	p0 =	seq.s32 s7, s2  }
0x1e: {  	s7 =	smul.u32 @!p0 $0xF7A, s2;
	p2 =	seq.s32 @!p0 s5, $0x0  }
0x1f: {  	s9 =	smul.u32 $0xF7A, s1;
	s8 =	simm.s32 @!p0 $0x1BF5;
	p2 =	por !p2, p0  }
0x20: {  	[sflag:s8] =	ssyncset.s32 @!p0 $0xFFFFF086;
	s6 =	sadd.s32 @!p0 s3, s7;
	s7 =	simm.s32 @!p0 $0x108  }
0x21: {  	s3 =	sadd.s32 s3, s9;
	s6 =	sadd.s32 @!p0 $0x88, s6;
	s7 =	simm.s32 @p2 $0x1082  }
0x22: {  	[simem:s7], [sflag:s8] =	dma.local @!p0 [hbm:s6], $0xF7A  }
0x23: {  	s9 =	sor.u32 $0xD0000000, s2;
	s6 =	simm.s32 $0x108;
	_ =	swait.ge @!p0 [sflag:s8], $0x0  }
0x24: {  	s3 =	sadd.s32 $0x88, s3;
	s6 =	simm.s32 @!p1 $0x1082;
	[sflag:s4] =	ssyncset.s32 $0xFFFFF086  }
0x25: {  	[simem:s6], [sflag:s4] =	dma.local [hbm:s3], $0xF7A  }
0x26: {  	[smem:$0x3F92] =	sst s1;
	(tag) =	ssettag s2;
	_ =	strace s9  }
0x27: {  	s1 =	sld [smem:$0x3FA2]  }
0x28: {  	s2 =	sld [smem:$0x3FA3]  }
0x29: {  	s4 =	sld [smem:$0x3FA5]  }
0x2a: {  	p0 =	seq.s32 s5, $0x0;
	s5 =	sld [smem:$0x3FA6]  }
0x2b: {  	s6 =	sld [smem:$0x3FA7]  }
0x2c: {  	s7 =	sld [smem:$0x3FA8]  }
0x2d: {  	s3 =	simm.s32 $0x108;
	s8 =	sld [smem:$0x3FA9]  }
0x2e: {  	s3 =	simm.s32 @!p0 $0x1082;
	s9 =	sld [smem:$0x3FAA]  }
0x2f: {  	lr =	sadd.s32 s0, s3;
	s0 =	sld [smem:$0x3FA1]  }
0x30: {  	s3 =	sld [smem:$0x3FA4]  }
0x31: {  	[smem:$0x3FAD] =	sst s10  }
0x32: {  	s10 =	sld [smem:$0x3FAB];
	_ =	sdelay $0x3  }
0x33: {  	p0 =	seq.s32 s10, $0x1;
	s10 =	sld [smem:$0x3FAD];
	_ =	sdelay $0x3  }
0x34: {  	[smem:$0x3FAD] =	sst s10  }
0x35: {  	s10 =	sld [smem:$0x3FAC];
	_ =	sdelay $0x3  }
0x36: {  	p1 =	seq.s32 s10, $0x1;
	s10 =	sld [smem:$0x3FAD];
	_ =	sdelay $0x3  }
0x37: {  	[smem:$0x3FAD] =	sst s10  }
0x38: {  	s10 =	sld [smem:$0x3FAE]  }
0x39: {  	_ = 	snop;
	(pc) =	sbr.ind lr, $3  }
0x3a: {  	_ = 	snop  }
0x3b: {  	_ = 	snop  }
0x3c: {  	p2 =	seq.s32 s10, $0x1;
	s10 =	sld [smem:$0x3FAD]  }
0x3d: {  	_ =	shalt  }
0x3e: {  	_ =	shalt  }
0x3f: {  	_ =	shalt  }
0x40: {  	_ =	shalt  }
0x41: {  	_ =	shalt  }
0x42: {  	_ =	shalt  }
0x43: {  	_ =	shalt  }
0x44: {  	_ =	shalt  }
0x45: {  	_ =	shalt  }
0x46: {  	_ =	shalt  }
0x47: {  	_ =	shalt  }
0x48: {  	_ =	shalt  }
0x49: {  	_ =	shalt  }
0x4a: {  	_ =	shalt  }
0x4b: {  	_ =	shalt  }
0x4c: {  	_ =	shalt  }
0x4d: {  	_ =	shalt  }
0x4e: {  	_ =	shalt  }
0x4f: {  	_ =	shalt  }
0x50: {  	_ =	shalt  }
0x51: {  	_ =	shalt  }
0x52: {  	_ =	shalt  }
0x53: {  	_ =	shalt  }
0x54: {  	_ =	shalt  }
0x55: {  	_ =	shalt  }
0x56: {  	_ =	shalt  }
0x57: {  	_ =	shalt  }
0x58: {  	_ =	shalt  }
0x59: {  	_ =	shalt  }
0x5a: {  	_ =	shalt  }
0x5b: {  	_ =	shalt  }
0x5c: {  	_ =	shalt  }
0x5d: {  	_ =	shalt  }
0x5e: {  	_ =	shalt  }
0x5f: {  	_ =	shalt  }
0x60: {  	_ =	shalt  }
0x61: {  	_ =	shalt  }
0x62: {  	_ =	shalt  }
0x63: {  	_ =	shalt  }
0x64: {  	_ =	shalt  }
0x65: {  	_ =	shalt  }
0x66: {  	_ =	shalt  }
0x67: {  	_ =	shalt  }
0x68: {  	_ =	shalt  }
0x69: {  	_ =	shalt  }
0x6a: {  	_ =	shalt  }
0x6b: {  	_ =	shalt  }
0x6c: {  	_ =	shalt  }
0x6d: {  	_ =	shalt  }
0x6e: {  	_ =	shalt  }
0x6f: {  	_ =	shalt  }
0x70: {  	_ =	shalt  }
0x71: {  	_ =	shalt  }
0x72: {  	_ =	shalt  }
0x73: {  	_ =	shalt  }
0x74: {  	_ =	shalt  }
0x75: {  	_ =	shalt  }
0x76: {  	_ =	shalt  }
0x77: {  	_ =	shalt  }
0x78: {  	_ =	shalt  }
0x79: {  	_ =	shalt  }
0x7a: {  	_ =	shalt  }
0x7b: {  	_ =	shalt  }
0x7c: {  	_ =	shalt  }
0x7d: {  	_ =	shalt  }
0x7e: {  	_ =	shalt  }
0x7f: {  	_ =	shalt  }
0x80: {  	_ =	shalt  }
0x81: {  	_ =	shalt  }
0x82: {  	_ =	shalt  }
0x83: {  	_ =	shalt  }
0x84: {  	_ =	shalt  }
0x85: {  	_ =	shalt  }
0x86: {  	_ =	shalt  }
0x87: {  	_ =	shalt  }
.Lfunc_end0:
.L_simem_size_0:
called_computation.1_lowered:
.L_overlay_start_0:
0x88: {  	s2 =	sld [smem:$0x3FD9]  }
0x89: {  	s3 =	sld [smem:$0x3FFE];
	_ =	sdelay $0x1  }
0x8a: {  	s1 =	srdreg.scid  }
0x8b: {  	s0 =	sand.u32 $0x1, s1  }
0x8c: {  	s17 =	sshll.u32 s0, $0xA;
	s2 =	sadd.s32 s3, s2  }
0x8d: {  	s2 =	sadd.s32 s2, s17  }
0x8e: {  	[smem:$0x3FB9] =	sst s2  }
0x8f: {  	_ = 	snop  }
0x90: {  	s18 =	sld [smem:$0x3FC8];
	(tm) =	ssettm $0x1  }
0x91: {  	s19 =	sld [smem:$0x3FFB];
	_ =	sdelay $0x3  }
0x92: {  	_ =	strace s19  }
0x93: {  	s2 =	sld [smem:$0x3FFC];
	_ =	sdelay $0x3  }
0x94: {  	_ =	strace s2  }
0x95: {  	s2 =	sld [smem:$0x3FFD];
	_ =	sdelay $0x3  }
0x96: {  	_ =	strace s2  }
0x97: {  	_ =	strace $0x8FFFFFFF  }
0x98: {  	s20 =	sld [smem:$0x3FDB];
	_ =	sdelay $0x1  }
0x99: {  	s4 =	simm.s32 $_scs_section_size  }
0x9a: {  	s5 =	simm.s32 $_size__tile_overlayer_lowered;
	s6 =	simm.s32 $_tile_overlayer_lowered  }
0x9b: {  	s7 =	simm.s32 $0x1BFF;
	s21 =	sshll.u32 s6, $0x1;
	s4 =	sadd.s32 s4, s20  }
0x9c: {  	s22 =	simm.s32 $0x0;
	s5 =	sshll.u32 s5, $0x1;
	s6 =	sadd.s32 s21, s4  }
0x9d: {  	[timem:s22], [sflag:s7] =	dma.local [hbm:s6], s5  }
0x9e: {  	_ =	swait.ge [sflag:s7], s5  }
0x9f: {  	s5 =	ssub.s32 $0x0, s5;
	[sflag:s7] =	ssyncset.done $0x0  }
0xa0: {  	[sflag:s7] =	ssyncadd.s32 s5;
	_ =	sdelay $0x1  }
0xa1: {  	s23 =	simm.s32 $0x1B8B  }
0xa2: {  	_ =	swait.ge [sflag:s23], $0x1  }
0xa3: {  	[sflag:s23] =	ssyncset.done $0x0  }
0xa4: {  	[sflag:s23] =	ssyncadd.s32 $0xFFFFFFFF  }
0xa5: {  	s5 =	sld [smem:$0x0]  }
0xa6: {  	s6 =	sand.u32 $0xFFFFFFFE, s1  }
0xa7: {  	p0 =	sne.s32 s1, s6  }
0xa8: {  	s6 =	sshll.u32 @p0 s6, $0xE  }
0xa9: {  	s6 =	sadd.s32 @p0 $0x11B8D, s6;
	s7 =	sshll.u32 @p0 s5, $0x11  }
0xaa: {  	s6 =	sor.u32 @p0 s7, s6  }
0xab: {  	[sflag:s6] =	ssyncadd.remote.s32 @p0 $0x1;
	_ =	sdelay $0x1  }
0xac: {  	s6 =	simm.s32 @p0 $0x1B8D  }
0xad: {  	_ =	swait.eq @p0 [sflag:s6], $0x1  }
0xae: {  	[sflag:s6] =	ssyncadd.s32 @p0 $0xFFFFFFFF  }
0xaf: {  	s7 =	sshll.u32 @!p0 s1, $0xE  }
0xb0: {  	s7 =	sor.u32 @!p0 $0x4000, s7;
	s6 =	simm.s32 @!p0 $0x1B8D  }
0xb1: {  	s5 =	sshll.u32 @!p0 s5, $0x11;
	s7 =	sadd.s32 @!p0 $0x11B8D, s7;
	_ =	swait.eq @!p0 [sflag:s6], $0x1  }
0xb2: {  	s5 =	sor.u32 @!p0 s5, s7;
	[sflag:s6] =	ssyncadd.s32 @!p0 $0xFFFFFFFF  }
0xb3: {  	s25 =	simm.s32 $0x1B8E;
	s24 =	sld [smem:$0x3FFE];
	[sflag:s5] =	ssyncadd.remote.s32 @!p0 $0x1  }
0xb4: {  	s26 =	simm.s32 $execute0_lowered;
	[smem:$0x3FD2] =	sst s25  }
0xb5: {  	s6 =	sshll.u32 s26, $0x1;
	_ =	strace $0x80000049;
	[dreg:$0x1] =	wrdreg $0xFFFFFFFF  }
0xb6: {  	s28 =	simm.s32 $_size_execute0_lowered;
	s4 =	sadd.s32 s4, s6;
	[dreg:$0x0] =	wrdreg $0x0  }
0xb7: {  	s6 =	sshll.u32 s28, $0x1;
	[dreg:$0x2] =	wrdreg s4  }
0xb8: {  	[dreg:$0x3] =	wrdreg s6  }
0xb9: {  	[dreg:$0x4] =	wrdreg $0xC0  }
0xba: {  	_ =	task [dreg:s22], $0x5FFFF  }
0xbb: {  	[dreg:$0x1] =	wrdreg $0xFFFFFFFF  }
0xbc: {  	[dreg:$0x0] =	wrdreg $0x60  }
0xbd: {  	[dreg:$0x2] =	wrdreg s18  }
0xbe: {  	[dreg:$0x3] =	wrdreg s24  }
0xbf: {  	[dreg:$0x4] =	wrdreg $0xA  }
0xc0: {  	_ =	task.clear_ibuf [dreg:s22], $0x5FFFF;
	_ =	strace $0x90000049  }
0xc1: {  	s29 =	simm.s32 $0xA;
	_ =	strace $0x8000004B  }
0xc2: {  	_ =	swait.ge [sflag:s29], $0x1  }
0xc3: {  	[sflag:s29] =	ssyncadd.s32 $0xFFFFFFFF  }
0xc4: {  	_ =	strace $0x9000004B  }
0xc5: {  	_ =	sfence  }
0xc6: {  	s30 =	sld [smem:$0x0];
	_ =	sdelay $0x2  }
0xc7: {  	s31 =	sshll.u32 s1, $0xD;
	s1 =	sshrl.u32 s1, $0x2  }
0xc8: {  	s4 =	sand.u32 $0x4000, s31;
	s1 =	sadd.s32 s1, s30  }
0xc9: {  	s0 =	sor.u32 s4, s0;
	s1 =	sshll.u32 s1, $0x11  }
0xca: {  	s0 =	sor.u32 s1, s0  }
0xcb: {  	s0 =	sadd.s32 $0x8F2B, s0  }
0xcc: {  	[sflag:s0] =	ssyncadd.remote.s32 $0x1  }
0xcd: {  	_ =	sfence.sel $0xFFFF  }
0xce: {  	[dreg:$0x0] =	wrdreg $0xFFFFFFFF;
	(pc) =	sbr.abs _section_cstart, $3  }
0xcf: {  	[dreg:$0x1] =	wrdreg $0xFFFFFFFF  }
0xd0: {  	_ =	task.clear_ibuf [dreg:s22], $0x2FFFF;
	_ =	strace $0x9FFFFFFF  }
0xd1: {  	(tm) =	ssettm $0x7FFFFFFF  }
tec
execute0_lowered:
.L_overlay_start_1:
0x0: {  	(tag) =	ssettag $0x1  }
0x1: {  	s3 =	rddreg [dreg:$0x0]  }
0x2: {  	s1 =	srdreg.scid;
	s0 =	stileid.u32  }
0x3: {  	s9 =	rddreg [dreg:$0x1];
	s13 =	sand.u32 $0x1, s1;
	s4 =	sshll.u32 s0, $0x1  }
0x4: {  	s2 =	simm.s32 $0x0;
	s1 =	rddreg [dreg:$0x2];
	s10 =	sor.u32 s13, s4  }
0x5: {  	[smem:$0x7FF] =	sst s2;
	s4 =	sshll.u32 s10, $0x6  }
0x6: {  	_ =	strace $0x8000004A;
	s4 =	sadd.s32 s3, s4;
	s3 =	simm.s32 $0x2  }
0x7: {  	[tilespmem:s2], [sflag:$0x2] =	stream.linear.gather [hbm4b:s4+s2], $0x200, $0x38;
	[tilespmem:$0x4200] =	vst v63  }
0x8: {  	_ =	swait.ge [sflag:s3], $0x200  }
0x9: {  	s6 =	simm.s32 $0x80;
	s7 =	simm.s32 $0x200;
	[sflag:s3] =	ssyncset.done $0x0  }
0xa: {  	s8 =	simm.s32 $0x1;
	s5 =	sadd.s32 $0x2CC600, s9;
	[sflag:s3] =	ssyncadd.s32 $0xFFFFFE00  }
0xb: {  	[tilespmem:s7], [sflag:$0x1] =	stream.indirect.gather [hbm4b:s5+s6], $0x80, s2, s6, $0xb8;
	[tilespmem:$0x4200] =	vst v63  }
0xc: {  	s10 =	sshll.u32 s10, $0xD;
	_ =	swait.ge [sflag:s8], $0x4000  }
0xd: {  	s14 =	sadd.s32 s10, s9;
	[sflag:s8] =	ssyncset.done $0x0  }
0xe: {  	s9 =	sadd.s32 $0x453000, s14;
	[sflag:s8] =	ssyncadd.s32 $0xFFFFC000  }
0xf: {  	[hbm4b:s9+s2] =	stream.linear.scatter [tilespmem:s7], [sflag:$0x2], $0x4000, $0x38;
	[tilespmem:$0x4200] =	vst v63  }
0x10: {  	_ =	swait.ge [sflag:s3], $0x4000  }
0x11: {  	[sflag:s3] =	ssyncset.done $0x0  }
0x12: {  	[sflag:s3] =	ssyncadd.s32 $0xFFFFC000  }
0x13: {  	[tilespmem:s7], [sflag:$0x1] =	stream.indirect.gather [hbm4b:s5+s6], $0x80, s6, s6, $0xb8;
	[tilespmem:$0x4200] =	vst v63  }
0x14: {  	_ =	swait.ge [sflag:s8], $0x4000  }
0x15: {  	[sflag:s8] =	ssyncset.done $0x0  }
0x16: {  	s10 =	sadd.s32 $0x453800, s14;
	[sflag:s8] =	ssyncadd.s32 $0xFFFFC000  }
0x17: {  	[hbm4b:s10+s2] =	stream.linear.scatter [tilespmem:s7], [sflag:$0x2], $0x4000, $0x38;
	[tilespmem:$0x4200] =	vst v63  }
0x18: {  	_ =	swait.ge [sflag:s3], $0x4000  }
0x19: {  	[sflag:s3] =	ssyncset.done $0x0  }
0x1a: {  	s11 =	simm.s32 $0x100;
	[sflag:s3] =	ssyncadd.s32 $0xFFFFC000  }
0x1b: {  	[tilespmem:s7], [sflag:$0x1] =	stream.indirect.gather [hbm4b:s5+s6], $0x80, s11, s6, $0xb8;
	[tilespmem:$0x4200] =	vst v63  }
0x1c: {  	_ =	swait.ge [sflag:s8], $0x4000  }
0x1d: {  	[sflag:s8] =	ssyncset.done $0x0  }
0x1e: {  	s15 =	ssub.s32 $0x2, s13;
	s12 =	sadd.s32 $0x454000, s14;
	[sflag:s8] =	ssyncadd.s32 $0xFFFFC000  }
0x1f: {  	[hbm4b:s12+s2] =	stream.linear.scatter [tilespmem:s7], [sflag:$0x2], $0x4000, $0x38;
	[tilespmem:$0x4200] =	vst v63  }
0x20: {  	s16 =	sshrl.u32 s15, $0x1;
	_ =	swait.ge [sflag:s3], $0x4000  }
0x21: {  	s15 =	ssub.s32 s15, s16;
	[sflag:s3] =	ssyncset.done $0x0  }
0x22: {  	s13 =	simm.s32 $0x180;
	s15 =	smax.u32 s15, $0x1;
	[sflag:s3] =	ssyncadd.s32 $0xFFFFC000  }
0x23: {  	[tilespmem:s7], [sflag:$0x1] =	stream.indirect.gather [hbm4b:s5+s6], $0x80, s13, s6, $0xb8;
	[tilespmem:$0x4200] =	vst v63  }
0x24: {  	p0 =	sne.s32 s15, $0x1;
	_ =	swait.ge [sflag:s8], $0x4000  }
.Ltmp0:
0x25: {  	[sflag:s8] =	ssyncset.done $0x0;
	(pc) =	sbr.rel @!p0 .LBB2_2-.Ltmp0, $4  }
0x26: {  	s14 =	sadd.s32 $0x454800, s14;
	[sflag:s8] =	ssyncadd.s32 $0xFFFFC000  }
0x27: {  	[hbm4b:s14+s2] =	stream.linear.scatter [tilespmem:s7], [sflag:$0x2], $0x4000, $0x38;
	[tilespmem:$0x4200] =	vst v63  }
0x28: {  	_ =	swait.ge [sflag:s3], $0x4000  }
0x29: {  	s15 =	sadd.s32 $0xFFFFFFFF, s15;
	[sflag:s3] =	ssyncset.done $0x0  }
.LBB2_1:
0x2a: {  	p0 =	sne.s32 s15, $0x1;
	s15 =	sadd.s32 $0xFFFFFFFF, s15;
	[sflag:s3] =	ssyncadd.s32 $0xFFFFC000  }
0x2b: {  	[tilespmem:s2], [sflag:$0x2] =	stream.linear.gather [hbm4b:s4+s2], $0x200, $0x38;
	[tilespmem:$0x4200] =	vst v63  }
0x2c: {  	_ =	swait.ge [sflag:s3], $0x200  }
0x2d: {  	[sflag:s3] =	ssyncset.done $0x0  }
0x2e: {  	[sflag:s3] =	ssyncadd.s32 $0xFFFFFE00  }
0x2f: {  	[tilespmem:s7], [sflag:$0x1] =	stream.indirect.gather [hbm4b:s5+s6], $0x80, s2, s6, $0xb8;
	[tilespmem:$0x4200] =	vst v63  }
0x30: {  	_ =	swait.ge [sflag:s8], $0x4000  }
0x31: {  	[sflag:s8] =	ssyncset.done $0x0  }
0x32: {  	[sflag:s8] =	ssyncadd.s32 $0xFFFFC000  }
0x33: {  	[hbm4b:s9+s2] =	stream.linear.scatter [tilespmem:s7], [sflag:$0x2], $0x4000, $0x38;
	[tilespmem:$0x4200] =	vst v63  }
0x34: {  	_ =	swait.ge [sflag:s3], $0x4000  }
0x35: {  	[sflag:s3] =	ssyncset.done $0x0  }
0x36: {  	[sflag:s3] =	ssyncadd.s32 $0xFFFFC000  }
0x37: {  	[tilespmem:s7], [sflag:$0x1] =	stream.indirect.gather [hbm4b:s5+s6], $0x80, s6, s6, $0xb8;
	[tilespmem:$0x4200] =	vst v63  }
0x38: {  	_ =	swait.ge [sflag:s8], $0x4000  }
0x39: {  	[sflag:s8] =	ssyncset.done $0x0  }
0x3a: {  	[sflag:s8] =	ssyncadd.s32 $0xFFFFC000  }
0x3b: {  	[hbm4b:s10+s2] =	stream.linear.scatter [tilespmem:s7], [sflag:$0x2], $0x4000, $0x38;
	[tilespmem:$0x4200] =	vst v63  }
0x3c: {  	_ =	swait.ge [sflag:s3], $0x4000  }
0x3d: {  	[sflag:s3] =	ssyncset.done $0x0  }
0x3e: {  	[sflag:s3] =	ssyncadd.s32 $0xFFFFC000  }
0x3f: {  	[tilespmem:s7], [sflag:$0x1] =	stream.indirect.gather [hbm4b:s5+s6], $0x80, s11, s6, $0xb8;
	[tilespmem:$0x4200] =	vst v63  }
0x40: {  	_ =	swait.ge [sflag:s8], $0x4000  }
0x41: {  	[sflag:s8] =	ssyncset.done $0x0  }
0x42: {  	[sflag:s8] =	ssyncadd.s32 $0xFFFFC000  }
0x43: {  	[hbm4b:s12+s2] =	stream.linear.scatter [tilespmem:s7], [sflag:$0x2], $0x4000, $0x38;
	[tilespmem:$0x4200] =	vst v63  }
0x44: {  	_ =	swait.ge [sflag:s3], $0x4000  }
0x45: {  	[sflag:s3] =	ssyncset.done $0x0  }
0x46: {  	[sflag:s3] =	ssyncadd.s32 $0xFFFFC000  }
0x47: {  	[tilespmem:s7], [sflag:$0x1] =	stream.indirect.gather [hbm4b:s5+s6], $0x80, s13, s6, $0xb8;
	[tilespmem:$0x4200] =	vst v63  }
0x48: {  	_ =	swait.ge [sflag:s8], $0x4000  }
.Ltmp1:
0x49: {  	[sflag:s8] =	ssyncset.done $0x0;
	(pc) =	sbr.rel @p0 .LBB2_1-.Ltmp1, $4  }
0x4a: {  	[sflag:s8] =	ssyncadd.s32 $0xFFFFC000  }
0x4b: {  	[hbm4b:s14+s2] =	stream.linear.scatter [tilespmem:s7], [sflag:$0x2], $0x4000, $0x38;
	[tilespmem:$0x4200] =	vst v63  }
0x4c: {  	_ =	swait.ge [sflag:s3], $0x4000  }
0x4d: {  	[sflag:s3] =	ssyncset.done $0x0  }
.LBB2_2:
0x4e: {  	[sflag:s3] =	ssyncadd.s32 $0xFFFFC000  }
0x4f: {  	_ =	sfence.sel $0x180000  }
0x50: {  	[bflag:$0x0] =	sbarrier.arrive $0xFFFF  }
0x51: {  	p0 =	sne.s32 s0, $0x0;
	_ =	strace $0x9000004A  }
0x52: {  	s0 =	sadd.s32 @!p0 $0x100000, s1;
	[bflag:$0x2] =	sbarrier.arrive $0xFFFF  }
0x53: {  	[sflag:s0] =	ssyncadd.tile.s32 @!p0 $0x1;
	_ =	shalt  }
.Lfunc_end2:
_tile_overlayer_lowered:
.L_overlay_start_2:
0x54: {  	(tag) =	ssettag $0x2  }
0x55: {  	s0 =	rddreg [dreg:$0x0];
	s2 =	stileid.u32  }
0x56: {  	s1 =	rddreg [dreg:$0x1];
	p0 =	sne.s32 s2, $0x0  }
0x57: {  	s3 =	rddreg [dreg:$0x2];
	[bflag:$0x3] =	sbarrier.arrive $0xFFFF;
	s2 =	simm.s32 @!p0 $0x1C02  }
0x58: {  	[timem:s3], [sflag:s2] =	dma.local @!p0 [hbm:s0], s1  }
0x59: {  	s0 =	simm.s32 @!p0 $0x2  }
0x5a: {  	_ =	swait.ge @!p0 [sflag:s0], s1  }
0x5b: {  	s1 =	ssub.s32 @!p0 $0x0, s1;
	[sflag:s0] =	ssyncset.done @!p0 $0x0  }
0x5c: {  	[sflag:s0] =	ssyncadd.s32 @!p0 s1  }
0x5d: {  	[bflag:$0x3] =	sbarrier.arrive $0xFFFF  }
0x5e: {  	_ =	shalt  }

// kernel: kernel.7.cloned.1.call-start
scs
__scs_entry_jumppad:
0x0: {  	(pc) =	sbr.rel $0x88, $3  }
0x1: {  	(tag) =	ssettag $0x0;
	lr =	simm.s32 $0x1  }
0x2: {  	[smem:$0x3F92] =	sst lr;
	_ =	strace $0xD0000000  }
0x3: {  	_ = 	snop  }
0x4: {  	_ = 	snop  }
0x5: {  	_ = 	snop  }
0x6: {  	_ = 	snop  }
0x7: {  	_ = 	snop  }
__scs_overlays_trampoline_lowered:
0x8: {  	[smem:$0x3FA1] =	sst s0  }
0x9: {  	[smem:$0x3FA2] =	sst s1  }
0xa: {  	[smem:$0x3FA3] =	sst s2  }
0xb: {  	[smem:$0x3FA4] =	sst s3  }
0xc: {  	[smem:$0x3FA5] =	sst s4  }
0xd: {  	[smem:$0x3FA6] =	sst s5  }
0xe: {  	[smem:$0x3FA7] =	sst s6  }
0xf: {  	[smem:$0x3FA8] =	sst s7  }
0x10: {  	[smem:$0x3FA9] =	sst s8  }
0x11: {  	[smem:$0x3FAA] =	sst s9;
	s0 =	simm.s32 @!p0 $0x0  }
0x12: {  	s1 =	sld [smem:$0x3F90];
	s0 =	simm.s32 @p0 $0x1  }
0x13: {  	[smem:$0x3FAB] =	sst s0;
	s0 =	simm.s32 @!p1 $0x0  }
0x14: {  	s2 =	sld [smem:$0x3F8F];
	s0 =	simm.s32 @p1 $0x1  }
0x15: {  	[smem:$0x3FAC] =	sst s0;
	s0 =	simm.s32 @!p2 $0x0  }
0x16: {  	s3 =	sld [smem:$0x3FDB];
	s0 =	simm.s32 @p2 $0x1  }
0x17: {  	s4 =	simm.s32 $0x1BF5;
	[smem:$0x3FAE] =	sst s0  }
0x18: {  	s0 =	sld [smem:$0x3F91];
	_ =	swait.ge [sflag:s4], $0x0  }
0x19: {  	s7 =	sld [smem:$0x3F92]  }
0x1a: {  	s8 =	sadd.s32 $0xFFFFE003, lr  }
0x1b: {  	s9 =	sadd.s32 $0xFFFFFEF7, lr;
	s5 =	simm.s32 $0xFFFFFFFF;
	p2 =	slt.u32 s8, $0xFFFFF086  }
0x1c: {  	p1 =	slt.u32 s9, $0xF7A;
	s5 =	simm.s32 @!p2 $0x0  }
0x1d: {  	s5 =	simm.s32 @p1 $0x1;
	p0 =	seq.s32 s7, s2  }
0x1e: {  	s7 =	smul.u32 @!p0 $0xF7A, s2;
	p2 =	seq.s32 @!p0 s5, $0x0  }
0x1f: {  	s9 =	smul.u32 $0xF7A, s1;
	s8 =	simm.s32 @!p0 $0x1BF5;
	p2 =	por !p2, p0  }
0x20: {  	[sflag:s8] =	ssyncset.s32 @!p0 $0xFFFFF086;
	s6 =	sadd.s32 @!p0 s3, s7;
	s7 =	simm.s32 @!p0 $0x108  }
0x21: {  	s3 =	sadd.s32 s3, s9;
	s6 =	sadd.s32 @!p0 $0x88, s6;
	s7 =	simm.s32 @p2 $0x1082  }
0x22: {  	[simem:s7], [sflag:s8] =	dma.local @!p0 [hbm:s6], $0xF7A  }
0x23: {  	s9 =	sor.u32 $0xD0000000, s2;
	s6 =	simm.s32 $0x108;
	_ =	swait.ge @!p0 [sflag:s8], $0x0  }
0x24: {  	s3 =	sadd.s32 $0x88, s3;
	s6 =	simm.s32 @!p1 $0x1082;
	[sflag:s4] =	ssyncset.s32 $0xFFFFF086  }
0x25: {  	[simem:s6], [sflag:s4] =	dma.local [hbm:s3], $0xF7A  }
0x26: {  	[smem:$0x3F92] =	sst s1;
	(tag) =	ssettag s2;
	_ =	strace s9  }
0x27: {  	s1 =	sld [smem:$0x3FA2]  }
0x28: {  	s2 =	sld [smem:$0x3FA3]  }
0x29: {  	s4 =	sld [smem:$0x3FA5]  }
0x2a: {  	p0 =	seq.s32 s5, $0x0;
	s5 =	sld [smem:$0x3FA6]  }
0x2b: {  	s6 =	sld [smem:$0x3FA7]  }
0x2c: {  	s7 =	sld [smem:$0x3FA8]  }
0x2d: {  	s3 =	simm.s32 $0x108;
	s8 =	sld [smem:$0x3FA9]  }
0x2e: {  	s3 =	simm.s32 @!p0 $0x1082;
	s9 =	sld [smem:$0x3FAA]  }
0x2f: {  	lr =	sadd.s32 s0, s3;
	s0 =	sld [smem:$0x3FA1]  }
0x30: {  	s3 =	sld [smem:$0x3FA4]  }
0x31: {  	[smem:$0x3FAD] =	sst s10  }
0x32: {  	s10 =	sld [smem:$0x3FAB];
	_ =	sdelay $0x3  }
0x33: {  	p0 =	seq.s32 s10, $0x1;
	s10 =	sld [smem:$0x3FAD];
	_ =	sdelay $0x3  }
0x34: {  	[smem:$0x3FAD] =	sst s10  }
0x35: {  	s10 =	sld [smem:$0x3FAC];
	_ =	sdelay $0x3  }
0x36: {  	p1 =	seq.s32 s10, $0x1;
	s10 =	sld [smem:$0x3FAD];
	_ =	sdelay $0x3  }
0x37: {  	[smem:$0x3FAD] =	sst s10  }
0x38: {  	s10 =	sld [smem:$0x3FAE]  }
0x39: {  	_ = 	snop;
	(pc) =	sbr.ind lr, $3  }
0x3a: {  	_ = 	snop  }
0x3b: {  	_ = 	snop  }
0x3c: {  	p2 =	seq.s32 s10, $0x1;
	s10 =	sld [smem:$0x3FAD]  }
0x3d: {  	_ =	shalt  }
0x3e: {  	_ =	shalt  }
0x3f: {  	_ =	shalt  }
0x40: {  	_ =	shalt  }
0x41: {  	_ =	shalt  }
0x42: {  	_ =	shalt  }
0x43: {  	_ =	shalt  }
0x44: {  	_ =	shalt  }
0x45: {  	_ =	shalt  }
0x46: {  	_ =	shalt  }
0x47: {  	_ =	shalt  }
0x48: {  	_ =	shalt  }
0x49: {  	_ =	shalt  }
0x4a: {  	_ =	shalt  }
0x4b: {  	_ =	shalt  }
0x4c: {  	_ =	shalt  }
0x4d: {  	_ =	shalt  }
0x4e: {  	_ =	shalt  }
0x4f: {  	_ =	shalt  }
0x50: {  	_ =	shalt  }
0x51: {  	_ =	shalt  }
0x52: {  	_ =	shalt  }
0x53: {  	_ =	shalt  }
0x54: {  	_ =	shalt  }
0x55: {  	_ =	shalt  }
0x56: {  	_ =	shalt  }
0x57: {  	_ =	shalt  }
0x58: {  	_ =	shalt  }
0x59: {  	_ =	shalt  }
0x5a: {  	_ =	shalt  }
0x5b: {  	_ =	shalt  }
0x5c: {  	_ =	shalt  }
0x5d: {  	_ =	shalt  }
0x5e: {  	_ =	shalt  }
0x5f: {  	_ =	shalt  }
0x60: {  	_ =	shalt  }
0x61: {  	_ =	shalt  }
0x62: {  	_ =	shalt  }
0x63: {  	_ =	shalt  }
0x64: {  	_ =	shalt  }
0x65: {  	_ =	shalt  }
0x66: {  	_ =	shalt  }
0x67: {  	_ =	shalt  }
0x68: {  	_ =	shalt  }
0x69: {  	_ =	shalt  }
0x6a: {  	_ =	shalt  }
0x6b: {  	_ =	shalt  }
0x6c: {  	_ =	shalt  }
0x6d: {  	_ =	shalt  }
0x6e: {  	_ =	shalt  }
0x6f: {  	_ =	shalt  }
0x70: {  	_ =	shalt  }
0x71: {  	_ =	shalt  }
0x72: {  	_ =	shalt  }
0x73: {  	_ =	shalt  }
0x74: {  	_ =	shalt  }
0x75: {  	_ =	shalt  }
0x76: {  	_ =	shalt  }
0x77: {  	_ =	shalt  }
0x78: {  	_ =	shalt  }
0x79: {  	_ =	shalt  }
0x7a: {  	_ =	shalt  }
0x7b: {  	_ =	shalt  }
0x7c: {  	_ =	shalt  }
0x7d: {  	_ =	shalt  }
0x7e: {  	_ =	shalt  }
0x7f: {  	_ =	shalt  }
0x80: {  	_ =	shalt  }
0x81: {  	_ =	shalt  }
0x82: {  	_ =	shalt  }
0x83: {  	_ =	shalt  }
0x84: {  	_ =	shalt  }
0x85: {  	_ =	shalt  }
0x86: {  	_ =	shalt  }
0x87: {  	_ =	shalt  }
.Lfunc_end0:
.L_simem_size_0:
called_computation_lowered:
.L_overlay_start_0:
0x88: {  	s2 =	sld [smem:$0x3FD9]  }
0x89: {  	s3 =	sld [smem:$0x3FFE];
	_ =	sdelay $0x1  }
0x8a: {  	s1 =	srdreg.scid  }
0x8b: {  	s0 =	sand.u32 $0x1, s1  }
0x8c: {  	s16 =	sshll.u32 s0, $0xA;
	s2 =	sadd.s32 s3, s2  }
0x8d: {  	s2 =	sadd.s32 s2, s16  }
0x8e: {  	[smem:$0x3FB9] =	sst s2  }
0x8f: {  	_ = 	snop  }
0x90: {  	(tm) =	ssettm $0x1  }
0x91: {  	s17 =	sld [smem:$0x3FFB];
	_ =	sdelay $0x3  }
0x92: {  	_ =	strace s17  }
0x93: {  	s2 =	sld [smem:$0x3FFC];
	_ =	sdelay $0x3  }
0x94: {  	_ =	strace s2  }
0x95: {  	s2 =	sld [smem:$0x3FFD];
	_ =	sdelay $0x3  }
0x96: {  	_ =	strace s2  }
0x97: {  	_ =	strace $0x8FFFFFFF  }
0x98: {  	s18 =	sld [smem:$0x3FDB];
	_ =	sdelay $0x1  }
0x99: {  	s19 =	simm.s32 $_scs_section_size  }
0x9a: {  	s4 =	simm.s32 $_size__tile_overlayer_lowered;
	s5 =	simm.s32 $_tile_overlayer_lowered  }
0x9b: {  	s22 =	simm.s32 $0x1BFF;
	s21 =	sshll.u32 s5, $0x1;
	s2 =	sadd.s32 s19, s18  }
0x9c: {  	s6 =	simm.s32 $0x0;
	s20 =	sshll.u32 s4, $0x1;
	s4 =	sadd.s32 s21, s2  }
0x9d: {  	[timem:s6], [sflag:s22] =	dma.local [hbm:s4], s20  }
0x9e: {  	_ =	swait.ge [sflag:s22], s20  }
0x9f: {  	s3 =	ssub.s32 $0x0, s20;
	[sflag:s22] =	ssyncset.done $0x0  }
0xa0: {  	[sflag:s22] =	ssyncadd.s32 s3;
	_ =	sdelay $0x1  }
0xa1: {  	s23 =	simm.s32 $0x1B8B  }
0xa2: {  	_ =	swait.ge [sflag:s23], $0x1  }
0xa3: {  	[sflag:s23] =	ssyncset.done $0x0  }
0xa4: {  	s25 =	simm.s32 $0x1B8E;
	s24 =	sld [smem:$0x3FFE];
	[sflag:s23] =	ssyncadd.s32 $0xFFFFFFFF  }
0xa5: {  	s26 =	simm.s32 $execute0_lowered;
	[smem:$0x3FD2] =	sst s25  }
0xa6: {  	s4 =	sshll.u32 s26, $0x1;
	_ =	strace $0x80000046;
	[dreg:$0x1] =	wrdreg $0xFFFFFFFF  }
0xa7: {  	s28 =	simm.s32 $_size_execute0_lowered;
	s2 =	sadd.s32 s2, s4;
	[dreg:$0x0] =	wrdreg $0x0  }
0xa8: {  	s4 =	sshll.u32 s28, $0x1;
	[dreg:$0x2] =	wrdreg s2  }
0xa9: {  	[dreg:$0x3] =	wrdreg s4  }
0xaa: {  	[dreg:$0x4] =	wrdreg $0xC0  }
0xab: {  	_ =	task [dreg:s6], $0x5FFFF  }
0xac: {  	[dreg:$0x1] =	wrdreg $0xFFFFFFFF  }
0xad: {  	[dreg:$0x0] =	wrdreg $0x60  }
0xae: {  	[dreg:$0x2] =	wrdreg s24  }
0xaf: {  	[dreg:$0x3] =	wrdreg $0x9  }
0xb0: {  	_ =	task.clear_ibuf [dreg:s6], $0x4FFFF;
	_ =	strace $0x90000046  }
0xb1: {  	s29 =	simm.s32 $0x9;
	_ =	strace $0x80000048  }
0xb2: {  	_ =	swait.ge [sflag:s29], $0x1  }
0xb3: {  	[sflag:s29] =	ssyncadd.s32 $0xFFFFFFFF  }
0xb4: {  	_ =	strace $0x90000048  }
0xb5: {  	_ =	sfence  }
0xb6: {  	s30 =	sld [smem:$0x0];
	_ =	sdelay $0x2  }
0xb7: {  	s31 =	sshll.u32 s1, $0xD;
	s1 =	sshrl.u32 s1, $0x2  }
0xb8: {  	s3 =	sand.u32 $0x4000, s31;
	s1 =	sadd.s32 s1, s30  }
0xb9: {  	s0 =	sor.u32 s3, s0;
	s1 =	sshll.u32 s1, $0x11  }
0xba: {  	s0 =	sor.u32 s1, s0  }
0xbb: {  	s0 =	sadd.s32 $0x8F2B, s0  }
0xbc: {  	[sflag:s0] =	ssyncadd.remote.s32 $0x1  }
0xbd: {  	_ =	sfence.sel $0xFFFF  }
0xbe: {  	[dreg:$0x0] =	wrdreg $0xFFFFFFFF;
	(pc) =	sbr.abs _section_cstart, $3  }
0xbf: {  	[dreg:$0x1] =	wrdreg $0xFFFFFFFF  }
0xc0: {  	_ =	task.clear_ibuf [dreg:s6], $0x2FFFF;
	_ =	strace $0x9FFFFFFF  }
0xc1: {  	(tm) =	ssettm $0x7FFFFFFF  }
tec
execute0_lowered:
.L_overlay_start_1:
0x0: {  	(tag) =	ssettag $0x1  }
0x1: {  	s0 =	rddreg [dreg:$0x0];
	s1 =	srdreg.scid;
	s2 =	simm.s32 $0x0  }
0x2: {  	s3 =	stileid.u32;
	s28 =	simm.s32 $0x5000;
	[smem:$0x7FF] =	sst s2  }
0x3: {  	s29 =	simm.s32 $0x0;
	s4 =	sadd.s32 $0x18C600, s0;
	s14 =	sadd.s32 $0x1CC600, s0  }
0x4: {  	s1 =	sand.u32 $0x1, s1;
	s15 =	sadd.s32 $0x1CC608, s0;
	s16 =	sadd.s32 $0x20C600, s0  }
0x5: {  	s3 =	sshll.u32 s3, $0x1;
	s17 =	sadd.s32 $0x20C608, s0;
	s18 =	sadd.s32 $0x24C600, s0  }
0x6: {  	s19 =	sadd.s32 $0x24C608, s0;
	s20 =	sadd.s32 $0x28C600, s0;
	s5 =	sor.u32 s1, s3  }
0x7: {  	s21 =	sadd.s32 $0x28C608, s0;
	_ =	strace $0x80000047;
	s3 =	sshll.u32 s5, $0x6  }
0x8: {  	s1 =	ssub.s32 $0x2, s1;
	s13 =	sshll.u32 s5, $0xD;
	s6 =	sadd.s32 s3, s0  }
0x9: {  	s31 =	sshrl.u32 s1, $0x1;
	s3 =	sadd.s32 $0x5C00, s0;
	s7 =	sadd.s32 $0x1C00, s6  }
0xa: {  	s1 =	ssub.s32 s1, s31;
	s23 =	sadd.s32 $0x2400, s6;
	[dreg:$0x2] =	wrdreg s7  }
0xb: {  	s0 =	simm.s32 $0x80;
	s24 =	sadd.s32 $0x2C00, s6;
	[dreg:$0x3] =	wrdreg s23  }
0xc: {  	s25 =	sadd.s32 $0x3400, s6;
	s26 =	sadd.s32 $0x3C00, s6;
	[dreg:$0x4] =	wrdreg s24  }
0xd: {  	s30 =	sadd.s32 $0x4400, s6;
	s11 =	sadd.s32 $0x4C00, s6;
	[dreg:$0x5] =	wrdreg s25  }
0xe: {  	s12 =	sadd.s32 $0x5400, s6;
	s22 =	smax.u32 s1, $0x1;
	[dreg:$0x6] =	wrdreg s26  }
0xf: {  	s1 =	simm.s32 $0x1000;
	[dreg:$0x7] =	wrdreg s30;
	s23 =	simm.s32 $0x2  }
0x10: {  	s24 =	simm.s32 $0x9000;
	s25 =	simm.s32 $0xD000;
	s26 =	simm.s32 $0x1  }
.LBB2_1:
0x11: {  	s5 =	rddreg [dreg:$0x2]  }
0x12: {  	[tilespmem:s2], [sflag:$0x2] =	stream.linear.gather [hbm4b:s5+s2], $0x200, $0x38;
	[tilespmem:$0x11000] =	vst v63  }
0x13: {  	_ =	swait.ge [sflag:s23], $0x200  }
0x14: {  	[sflag:s23] =	ssyncset.done $0x0  }
0x15: {  	s6 =	simm.s32 $0x200;
	s7 =	rddreg [dreg:$0x3];
	[sflag:s23] =	ssyncadd.s32 $0xFFFFFE00  }
0x16: {  	[tilespmem:s6], [sflag:$0x2] =	stream.linear.gather [hbm4b:s7+s2], $0x200, $0x38;
	[tilespmem:$0x11000] =	vst v63  }
0x17: {  	_ =	swait.ge [sflag:s23], $0x200  }
0x18: {  	[sflag:s23] =	ssyncset.done $0x0  }
0x19: {  	s9 =	simm.s32 $0x400;
	s8 =	rddreg [dreg:$0x4];
	[sflag:s23] =	ssyncadd.s32 $0xFFFFFE00  }
0x1a: {  	[tilespmem:s9], [sflag:$0x2] =	stream.linear.gather [hbm4b:s8+s2], $0x200, $0x38;
	[tilespmem:$0x11000] =	vst v63  }
0x1b: {  	_ =	swait.ge [sflag:s23], $0x200  }
0x1c: {  	[sflag:s23] =	ssyncset.done $0x0  }
0x1d: {  	s31 =	simm.s32 $0x600;
	s10 =	rddreg [dreg:$0x5];
	[sflag:s23] =	ssyncadd.s32 $0xFFFFFE00  }
0x1e: {  	[tilespmem:s31], [sflag:$0x2] =	stream.linear.gather [hbm4b:s10+s2], $0x200, $0x38;
	[tilespmem:$0x11000] =	vst v63  }
0x1f: {  	_ =	swait.ge [sflag:s23], $0x200  }
0x20: {  	[sflag:s23] =	ssyncset.done $0x0  }
0x21: {  	s7 =	simm.s32 $0x800;
	s6 =	rddreg [dreg:$0x6];
	[sflag:s23] =	ssyncadd.s32 $0xFFFFFE00  }
0x22: {  	[tilespmem:s7], [sflag:$0x2] =	stream.linear.gather [hbm4b:s6+s2], $0x200, $0x38;
	[tilespmem:$0x11000] =	vst v63  }
0x23: {  	_ =	swait.ge [sflag:s23], $0x200  }
0x24: {  	[sflag:s23] =	ssyncset.done $0x0  }
0x25: {  	s9 =	simm.s32 $0xA00;
	s8 =	rddreg [dreg:$0x7];
	[sflag:s23] =	ssyncadd.s32 $0xFFFFFE00  }
0x26: {  	[tilespmem:s9], [sflag:$0x2] =	stream.linear.gather [hbm4b:s8+s2], $0x200, $0x38;
	[tilespmem:$0x11000] =	vst v63  }
0x27: {  	_ =	swait.ge [sflag:s23], $0x200  }
0x28: {  	[sflag:s23] =	ssyncset.done $0x0  }
0x29: {  	s10 =	simm.s32 $0xC00;
	[sflag:s23] =	ssyncadd.s32 $0xFFFFFE00  }
0x2a: {  	[tilespmem:s10], [sflag:$0x2] =	stream.linear.gather [hbm4b:s11+s2], $0x200, $0x38;
	[tilespmem:$0x11000] =	vst v63  }
0x2b: {  	_ =	swait.ge [sflag:s23], $0x200  }
0x2c: {  	[sflag:s23] =	ssyncset.done $0x0  }
0x2d: {  	s31 =	simm.s32 $0xE00;
	[sflag:s23] =	ssyncadd.s32 $0xFFFFFE00  }
0x2e: {  	[tilespmem:s31], [sflag:$0x2] =	stream.linear.gather [hbm4b:s12+s2], $0x200, $0x38;
	[tilespmem:$0x11000] =	vst v63  }
0x2f: {  	_ =	swait.ge [sflag:s23], $0x200  }
0x30: {  	[sflag:s23] =	ssyncset.done $0x0  }
0x31: {  	s30 =	simm.s32 $0x0;
	[sflag:s23] =	ssyncadd.s32 $0xFFFFFE00  }
.LBB2_2:
0x32: {  	s5 =	sshll.u32 s30, $0x7  }
0x33: {  	s5 =	sand.u32 $0x3FFFFF80, s5  }
0x34: {  	[tilespmem:s1], [sflag:$0x1] =	stream.indirect.gather [hbm4b:s3+s0], $0x80, s5, s0, $0xb8;
	[tilespmem:$0x11000] =	vst v63  }
0x35: {  	s6 =	simm.s32 $0x5000;
	s7 =	sadd.s32 $0x200, s5  }
0x36: {  	[tilespmem:s6], [sflag:$0x1] =	stream.indirect.gather [hbm4b:s3+s0], $0x80, s7, s0, $0xb8;
	[tilespmem:$0x11000] =	vst v63  }
0x37: {  	s8 =	sadd.s32 $0x400, s5  }
0x38: {  	[tilespmem:s24], [sflag:$0x1] =	stream.indirect.gather [hbm4b:s3+s0], $0x80, s8, s0, $0xb8;
	[tilespmem:$0x11000] =	vst v63  }
0x39: {  	s9 =	sadd.s32 $0x600, s5  }
0x3a: {  	[tilespmem:s25], [sflag:$0x1] =	stream.indirect.gather [hbm4b:s3+s0], $0x80, s9, s0, $0xb8;
	[tilespmem:$0x11000] =	vst v63  }
0x3b: {  	_ =	swait.ge [sflag:s26], $0x4000  }
0x3c: {  	[sflag:s26] =	ssyncset.done $0x0  }
0x3d: {  	[sflag:s26] =	ssyncadd.s32 $0xFFFFC000  }
0x3e: {  	_ =	swait.ge [sflag:s26], $0x4000  }
0x3f: {  	[sflag:s26] =	ssyncset.done $0x0  }
0x40: {  	[sflag:s26] =	ssyncadd.s32 $0xFFFFC000  }
0x41: {  	_ =	swait.ge [sflag:s26], $0x4000  }
0x42: {  	[sflag:s26] =	ssyncset.done $0x0  }
0x43: {  	[sflag:s26] =	ssyncadd.s32 $0xFFFFC000  }
0x44: {  	s10 =	sshll.u32 s30, $0xB;
	_ =	swait.ge [sflag:s26], $0x4000  }
0x45: {  	s31 =	sadd.s32 s13, s10;
	[sflag:s26] =	ssyncset.done $0x0  }
0x46: {  	s7 =	sadd.s32 s4, s31;
	s8 =	simm.s32 $0x0;
	[sflag:s26] =	ssyncadd.s32 $0xFFFFC000  }
0x47: {  	[hbm4b:s7+s8] =	stream.linear.scatter [tilespmem:s1], [sflag:$0x2], $0x4000, $0x38;
	[tilespmem:$0x11000] =	vst v63  }
0x48: {  	_ =	swait.ge [sflag:s23], $0x4000  }
0x49: {  	s9 =	simm.s32 $0x5080;
	s7 =	sadd.s32 s31, s14;
	[sflag:s23] =	ssyncset.done $0x0  }
0x4a: {  	s8 =	simm.s32 $0x10;
	s10 =	sadd.s32 $0x0, s7;
	[sflag:s23] =	ssyncadd.s32 $0xFFFFC000  }
.LBB2_3:
0x4b: {  	[hbm4b:s10+s2] =	stream.linear.scatter [tilespmem:s6], [sflag:$0x2], $0x40, $0x38;
	[tilespmem:$0x11000] =	vst v63  }
0x4c: {  	s10 =	smov.u32 s8;
	s6 =	smov.u32 s9;
	p0 =	sne.s32 s8, $0x7F0  }
.Ltmp0:
0x4d: {  	s8 =	sadd.s32 $0x10, s8;
	(pc) =	sbr.rel @p0 .LBB2_3-.Ltmp0, $2  }
0x4e: {  	_ =	sdelay $0x2  }
0x4f: {  	s9 =	sadd.s32 $0x80, s9;
	s10 =	sadd.s32 s10, s7  }
0x50: {  	[hbm4b:s10+s2] =	stream.linear.scatter [tilespmem:s6], [sflag:$0x2], $0x40, $0x38;
	[tilespmem:$0x11000] =	vst v63  }
0x51: {  	s6 =	sadd.s32 s31, s15;
	_ =	swait.ge [sflag:s23], $0x2000  }
0x52: {  	s7 =	simm.s32 $0x9000;
	s8 =	simm.s32 $0x10;
	[sflag:s23] =	ssyncset.done $0x0  }
0x53: {  	s9 =	simm.s32 $0x9080;
	s10 =	sadd.s32 $0x0, s6;
	[sflag:s23] =	ssyncadd.s32 $0xFFFFE000  }
.LBB2_5:
0x54: {  	[hbm4b:s10+s2] =	stream.linear.scatter [tilespmem:s7], [sflag:$0x2], $0x40, $0x38;
	[tilespmem:$0x11000] =	vst v63  }
0x55: {  	s10 =	smov.u32 s8;
	s7 =	smov.u32 s9;
	p0 =	sne.s32 s8, $0x7F0  }
.Ltmp1:
0x56: {  	s8 =	sadd.s32 $0x10, s8;
	(pc) =	sbr.rel @p0 .LBB2_5-.Ltmp1, $2  }
0x57: {  	_ =	sdelay $0x2  }
0x58: {  	s9 =	sadd.s32 $0x80, s9;
	s10 =	sadd.s32 s10, s6  }
0x59: {  	[hbm4b:s10+s2] =	stream.linear.scatter [tilespmem:s7], [sflag:$0x2], $0x40, $0x38;
	[tilespmem:$0x11000] =	vst v63  }
0x5a: {  	s6 =	sadd.s32 s31, s16;
	_ =	swait.ge [sflag:s23], $0x2000  }
0x5b: {  	s7 =	simm.s32 $0xD000;
	s8 =	simm.s32 $0x10;
	[sflag:s23] =	ssyncset.done $0x0  }
0x5c: {  	s9 =	simm.s32 $0xD080;
	s10 =	sadd.s32 $0x0, s6;
	[sflag:s23] =	ssyncadd.s32 $0xFFFFE000  }
.LBB2_7:
0x5d: {  	[hbm4b:s10+s2] =	stream.linear.scatter [tilespmem:s7], [sflag:$0x2], $0x40, $0x38;
	[tilespmem:$0x11000] =	vst v63  }
0x5e: {  	s10 =	smov.u32 s8;
	s7 =	smov.u32 s9;
	p0 =	sne.s32 s8, $0x7F0  }
.Ltmp2:
0x5f: {  	s8 =	sadd.s32 $0x10, s8;
	(pc) =	sbr.rel @p0 .LBB2_7-.Ltmp2, $2  }
0x60: {  	_ =	sdelay $0x2  }
0x61: {  	s9 =	sadd.s32 $0x80, s9;
	s10 =	sadd.s32 s10, s6  }
0x62: {  	[hbm4b:s10+s2] =	stream.linear.scatter [tilespmem:s7], [sflag:$0x2], $0x40, $0x38;
	[tilespmem:$0x11000] =	vst v63  }
0x63: {  	_ =	swait.ge [sflag:s23], $0x2000  }
0x64: {  	[sflag:s23] =	ssyncset.done $0x0  }
0x65: {  	s10 =	sadd.s32 $0x800, s5;
	s6 =	simm.s32 $0x1000;
	[sflag:s23] =	ssyncadd.s32 $0xFFFFE000  }
0x66: {  	[tilespmem:s6], [sflag:$0x1] =	stream.indirect.gather [hbm4b:s3+s0], $0x80, s10, s0, $0xb8;
	[tilespmem:$0x11000] =	vst v63  }
0x67: {  	s8 =	sadd.s32 $0xA00, s5  }
0x68: {  	[tilespmem:s28], [sflag:$0x1] =	stream.indirect.gather [hbm4b:s3+s0], $0x80, s8, s0, $0xb8;
	[tilespmem:$0x11000] =	vst v63  }
0x69: {  	s9 =	sadd.s32 $0xC00, s5  }
0x6a: {  	[tilespmem:s24], [sflag:$0x1] =	stream.indirect.gather [hbm4b:s3+s0], $0x80, s9, s0, $0xb8;
	[tilespmem:$0x11000] =	vst v63  }
0x6b: {  	s10 =	sadd.s32 $0xE00, s5  }
0x6c: {  	[tilespmem:s25], [sflag:$0x1] =	stream.indirect.gather [hbm4b:s3+s0], $0x80, s10, s0, $0xb8;
	[tilespmem:$0x11000] =	vst v63  }
0x6d: {  	_ =	swait.ge [sflag:s26], $0x4000  }
0x6e: {  	[sflag:s26] =	ssyncset.done $0x0  }
0x6f: {  	[sflag:s26] =	ssyncadd.s32 $0xFFFFC000  }
0x70: {  	_ =	swait.ge [sflag:s26], $0x4000  }
0x71: {  	[sflag:s26] =	ssyncset.done $0x0  }
0x72: {  	[sflag:s26] =	ssyncadd.s32 $0xFFFFC000  }
0x73: {  	_ =	swait.ge [sflag:s26], $0x4000  }
0x74: {  	[sflag:s26] =	ssyncset.done $0x0  }
0x75: {  	[sflag:s26] =	ssyncadd.s32 $0xFFFFC000  }
0x76: {  	_ =	swait.ge [sflag:s26], $0x4000  }
0x77: {  	s7 =	simm.s32 $0x10;
	s5 =	sadd.s32 s31, s17;
	[sflag:s26] =	ssyncset.done $0x0  }
0x78: {  	s8 =	simm.s32 $0x1080;
	s9 =	sadd.s32 $0x0, s5;
	[sflag:s26] =	ssyncadd.s32 $0xFFFFC000  }
.LBB2_9:
0x79: {  	[hbm4b:s9+s2] =	stream.linear.scatter [tilespmem:s6], [sflag:$0x2], $0x40, $0x38;
	[tilespmem:$0x11000] =	vst v63  }
0x7a: {  	s9 =	smov.u32 s7;
	s6 =	smov.u32 s8;
	p0 =	sne.s32 s7, $0x7F0  }
.Ltmp3:
0x7b: {  	s7 =	sadd.s32 $0x10, s7;
	(pc) =	sbr.rel @p0 .LBB2_9-.Ltmp3, $2  }
0x7c: {  	_ =	sdelay $0x2  }
0x7d: {  	s8 =	sadd.s32 $0x80, s8;
	s9 =	sadd.s32 s9, s5  }
0x7e: {  	[hbm4b:s9+s2] =	stream.linear.scatter [tilespmem:s6], [sflag:$0x2], $0x40, $0x38;
	[tilespmem:$0x11000] =	vst v63  }
0x7f: {  	s5 =	sadd.s32 s31, s18;
	_ =	swait.ge [sflag:s23], $0x2000  }
0x80: {  	s6 =	simm.s32 $0x5000;
	s7 =	simm.s32 $0x10;
	[sflag:s23] =	ssyncset.done $0x0  }
0x81: {  	s8 =	simm.s32 $0x5080;
	s9 =	sadd.s32 $0x0, s5;
	[sflag:s23] =	ssyncadd.s32 $0xFFFFE000  }
.LBB2_11:
0x82: {  	[hbm4b:s9+s2] =	stream.linear.scatter [tilespmem:s6], [sflag:$0x2], $0x40, $0x38;
	[tilespmem:$0x11000] =	vst v63  }
0x83: {  	s9 =	smov.u32 s7;
	s6 =	smov.u32 s8;
	p0 =	sne.s32 s7, $0x7F0  }
.Ltmp4:
0x84: {  	s7 =	sadd.s32 $0x10, s7;
	(pc) =	sbr.rel @p0 .LBB2_11-.Ltmp4, $2  }
0x85: {  	_ =	sdelay $0x2  }
0x86: {  	s8 =	sadd.s32 $0x80, s8;
	s9 =	sadd.s32 s9, s5  }
0x87: {  	[hbm4b:s9+s2] =	stream.linear.scatter [tilespmem:s6], [sflag:$0x2], $0x40, $0x38;
	[tilespmem:$0x11000] =	vst v63  }
0x88: {  	s5 =	sadd.s32 s31, s19;
	_ =	swait.ge [sflag:s23], $0x2000  }
0x89: {  	s6 =	simm.s32 $0x9000;
	s7 =	simm.s32 $0x10;
	[sflag:s23] =	ssyncset.done $0x0  }
0x8a: {  	s8 =	simm.s32 $0x9080;
	s9 =	sadd.s32 $0x0, s5;
	[sflag:s23] =	ssyncadd.s32 $0xFFFFE000  }
.LBB2_13:
0x8b: {  	[hbm4b:s9+s2] =	stream.linear.scatter [tilespmem:s6], [sflag:$0x2], $0x40, $0x38;
	[tilespmem:$0x11000] =	vst v63  }
0x8c: {  	s9 =	smov.u32 s7;
	s6 =	smov.u32 s8;
	p0 =	sne.s32 s7, $0x7F0  }
.Ltmp5:
0x8d: {  	s7 =	sadd.s32 $0x10, s7;
	(pc) =	sbr.rel @p0 .LBB2_13-.Ltmp5, $2  }
0x8e: {  	_ =	sdelay $0x2  }
0x8f: {  	s8 =	sadd.s32 $0x80, s8;
	s9 =	sadd.s32 s9, s5  }
0x90: {  	[hbm4b:s9+s2] =	stream.linear.scatter [tilespmem:s6], [sflag:$0x2], $0x40, $0x38;
	[tilespmem:$0x11000] =	vst v63  }
0x91: {  	s5 =	sadd.s32 s31, s20;
	_ =	swait.ge [sflag:s23], $0x2000  }
0x92: {  	s6 =	simm.s32 $0xD000;
	s7 =	simm.s32 $0x10;
	[sflag:s23] =	ssyncset.done $0x0  }
0x93: {  	s8 =	simm.s32 $0xD080;
	s9 =	sadd.s32 $0x0, s5;
	[sflag:s23] =	ssyncadd.s32 $0xFFFFE000  }
.LBB2_15:
0x94: {  	[hbm4b:s9+s2] =	stream.linear.scatter [tilespmem:s6], [sflag:$0x2], $0x40, $0x38;
	[tilespmem:$0x11000] =	vst v63  }
0x95: {  	s9 =	smov.u32 s7;
	s6 =	smov.u32 s8;
	p0 =	sne.s32 s7, $0x7F0  }
.Ltmp6:
0x96: {  	s7 =	sadd.s32 $0x10, s7;
	(pc) =	sbr.rel @p0 .LBB2_15-.Ltmp6, $2  }
0x97: {  	_ =	sdelay $0x2  }
0x98: {  	s8 =	sadd.s32 $0x80, s8;
	s9 =	sadd.s32 s9, s5  }
0x99: {  	[hbm4b:s9+s2] =	stream.linear.scatter [tilespmem:s6], [sflag:$0x2], $0x40, $0x38;
	[tilespmem:$0x11000] =	vst v63  }
0x9a: {  	s5 =	sadd.s32 s31, s21;
	_ =	swait.ge [sflag:s23], $0x2000  }
0x9b: {  	s6 =	simm.s32 $0xD000;
	s7 =	simm.s32 $0x10;
	[sflag:s23] =	ssyncset.done $0x0  }
0x9c: {  	s8 =	simm.s32 $0xD080;
	s9 =	sadd.s32 $0x0, s5;
	[sflag:s23] =	ssyncadd.s32 $0xFFFFE000  }
.LBB2_17:
0x9d: {  	[hbm4b:s9+s2] =	stream.linear.scatter [tilespmem:s6], [sflag:$0x2], $0x40, $0x38;
	[tilespmem:$0x11000] =	vst v63  }
0x9e: {  	s9 =	smov.u32 s7;
	s6 =	smov.u32 s8;
	p0 =	sne.s32 s7, $0x7F0  }
.Ltmp7:
0x9f: {  	s7 =	sadd.s32 $0x10, s7;
	(pc) =	sbr.rel @p0 .LBB2_17-.Ltmp7, $2  }
0xa0: {  	_ =	sdelay $0x2  }
0xa1: {  	s8 =	sadd.s32 $0x80, s8;
	s9 =	sadd.s32 s9, s5  }
0xa2: {  	s30 =	sadd.s32 $0x1, s30  }
0xa3: {  	p0 =	sne.s32 s30, $0x4  }
.Ltmp8:
0xa4: {  	_ = 	snop;
	(pc) =	sbr.rel @p0 .LBB2_2-.Ltmp8, $4  }
0xa5: {  	[hbm4b:s9+s2] =	stream.linear.scatter [tilespmem:s6], [sflag:$0x2], $0x40, $0x38;
	[tilespmem:$0x11000] =	vst v63  }
0xa6: {  	_ =	swait.ge [sflag:s23], $0x2000  }
0xa7: {  	[sflag:s23] =	ssyncset.done $0x0  }
0xa8: {  	[sflag:s23] =	ssyncadd.s32 $0xFFFFE000  }
0xa9: {  	s29 =	sadd.s32 $0x1, s29  }
0xaa: {  	p0 =	sne.s32 s29, s22  }
.Ltmp9:
0xab: {  	_ = 	snop;
	(pc) =	sbr.rel @p0 .LBB2_1-.Ltmp9, $1  }
0xac: {  	_ =	sdelay $0x3  }
0xad: {  	_ =	sfence.sel $0x180000  }
0xae: {  	[bflag:$0x0] =	sbarrier.arrive $0xFFFF  }
0xaf: {  	_ =	strace $0x90000047  }
0xb0: {  	s0 =	stileid.u32;
	[bflag:$0x2] =	sbarrier.arrive $0xFFFF  }
0xb1: {  	p0 =	sne.s32 s0, $0x0;
	s0 =	rddreg [dreg:$0x1]  }
0xb2: {  	s0 =	sadd.s32 @!p0 $0x100000, s0  }
0xb3: {  	[sflag:s0] =	ssyncadd.tile.s32 @!p0 $0x1;
	_ =	shalt  }
.Lfunc_end2:
_tile_overlayer_lowered:
.L_overlay_start_2:
0xb4: {  	(tag) =	ssettag $0x2  }
0xb5: {  	s0 =	rddreg [dreg:$0x0];
	s2 =	stileid.u32  }
0xb6: {  	s1 =	rddreg [dreg:$0x1];
	p0 =	sne.s32 s2, $0x0  }
0xb7: {  	s3 =	rddreg [dreg:$0x2];
	[bflag:$0x3] =	sbarrier.arrive $0xFFFF;
	s2 =	simm.s32 @!p0 $0x1C02  }
0xb8: {  	[timem:s3], [sflag:s2] =	dma.local @!p0 [hbm:s0], s1  }
0xb9: {  	s0 =	simm.s32 @!p0 $0x2  }
0xba: {  	_ =	swait.ge @!p0 [sflag:s0], s1  }
0xbb: {  	s1 =	ssub.s32 @!p0 $0x0, s1;
	[sflag:s0] =	ssyncset.done @!p0 $0x0  }
0xbc: {  	[sflag:s0] =	ssyncadd.s32 @!p0 s1  }
0xbd: {  	[bflag:$0x3] =	sbarrier.arrive $0xFFFF  }
0xbe: {  	_ =	shalt  }

</sc_bundles>
